<compile_context>
chip_gen: v7x
topology: tpu7x:2x2x1
jax: 0.10.2.dev20260603
libtpu: 0.0.44.dev20260713+nightly
codegen_flags: <defaults>
</compile_context>

<pallas_src>
import functools

import jax
import jax.numpy as jnp
from jax import lax
from jax.experimental import pallas as pl
from jax.experimental.pallas import tpu as pltpu
from jax.experimental.pallas import tpu_sc as plsc

_NC = 2
_NS = 16
_L = 16
_NW = _NC * _NS

_B = 4096
_H = _B // 2
_D = 64
_V = 100000
_TASKS_PER_W = (4 * _D) // _NW
_UNROLL = 4

_mesh = plsc.VectorSubcoreMesh(core_axis_name="c", subcore_axis_name="s")


@functools.partial(
    pl.kernel,
    out_type=jax.ShapeDtypeStruct((4 * _D, _H), jnp.float32),
    mesh=_mesh,
    compiler_params=pltpu.CompilerParams(needs_layout_passes=False),
    scratch_types=[
        pltpu.VMEM((2 * _B,), jnp.int32),
        pltpu.VMEM((_V,), jnp.float32),
        pltpu.VMEM((_H,), jnp.float32),
        pltpu.VMEM((_H,), jnp.float32),
        pltpu.SemaphoreType.DMA,
        pltpu.SemaphoreType.DMA,
        pltpu.SemaphoreType.DMA,
    ],
)
def _sc_sweep(user_hbm, item_hbm, gutT, gitT, mutT, mitT, out_hbm,
              idx2, rowbuf, outbuf0, outbuf1, s0, s1, s2):
    wid = lax.axis_index("s") * _NC + lax.axis_index("c")
    tbl = wid // 8
    dbase = (wid % 8) * _TASKS_PER_W
    tabs = (gutT, gitT, mutT, mitT)

    def issue_row(d):
        for t, tab in enumerate(tabs):
            @pl.when(tbl == t)
            def _():
                pltpu.async_copy(tab.at[d], rowbuf, s0)

    def wait_row(d):
        pltpu.make_async_copy(gutT.at[d], rowbuf, s0).wait()

    issue_row(dbase)
    pltpu.sync_copy(user_hbm, idx2.at[pl.ds(0, _B)])
    pltpu.sync_copy(item_hbm, idx2.at[pl.ds(_B, _B)])
    ibase = (tbl % 2) * _B

    def one_task(k, outbuf, wsem):
        d = dbase + k
        wait_row(d)

        def chunk(c, carry2):
            for j in range(_UNROLL):
                c2 = c * _UNROLL + j
                ids_a = idx2[pl.ds(ibase + c2 * _L, _L)]
                ids_b = idx2[pl.ds(ibase + _H + c2 * _L, _L)]
                a = plsc.load_gather(rowbuf, [ids_a])
                b = plsc.load_gather(rowbuf, [ids_b])
                packed = plsc.pack(a, b, format=plsc.PackFormat.INTERLEAVED)
                outbuf[pl.ds(c2 * _L, _L)] = plsc.bitcast(packed, jnp.float32)
            return carry2

        lax.fori_loop(0, _H // (_L * _UNROLL), chunk, 0)

        @pl.when(k < _TASKS_PER_W - 1)
        def _():
            issue_row(d + 1)

        return pltpu.async_copy(outbuf, out_hbm.at[wid * _TASKS_PER_W + k],
                                wsem)

    def task_pair(k2, carry):
        wa = one_task(k2 * 2, outbuf0, s1)
        wb = one_task(k2 * 2 + 1, outbuf1, s2)
        wa.wait()
        wb.wait()
        return carry

    lax.fori_loop(0, _TASKS_PER_W // 2, task_pair, 0)


def _tc_body(act_ref, w1ub_ref, w1ib_ref, b1b_ref, w2b_ref, b2b_ref,
             wpgb_ref, wpmb_ref, out_ref):
    a = pltpu.bitcast(act_ref[...], jnp.bfloat16)
    gmf = (a[0:2 * _D, :].astype(jnp.float32)
           * a[2 * _D:4 * _D, :].astype(jnp.float32))
    h = jnp.dot(w1ub_ref[...], a[4 * _D:6 * _D, :],
                preferred_element_type=jnp.float32)
    h = h + jnp.dot(w1ib_ref[...], a[6 * _D:8 * _D, :],
                    preferred_element_type=jnp.float32)
    h = jnp.maximum(h + b1b_ref[...], 0.0)
    m = jnp.dot(w2b_ref[...], h, preferred_element_type=jnp.float32)
    m = jnp.maximum(m + b2b_ref[...], 0.0)
    out = jnp.dot(wpgb_ref[...], gmf, preferred_element_type=jnp.float32)
    out = out + jnp.dot(wpmb_ref[...], m, preferred_element_type=jnp.float32)
    out_ref[...] = out


def kernel(user, item, gmf_user_table, gmf_item_table,
           mlp_user_table, mlp_item_table, W1, b1, W2, b2, Wp):
    user = user.astype(jnp.int32)
    item = item.astype(jnp.int32)
    act = _sc_sweep(user, item,
                    gmf_user_table.T, gmf_item_table.T,
                    mlp_user_table.T, mlp_item_table.T)
    eye2 = jnp.eye(2, dtype=jnp.float32)
    w1ub = (W1[:_D].T[None, :, :, None] * eye2[:, None, None, :]
            ).reshape(2 * _D, 2 * _D).astype(jnp.bfloat16)
    w1ib = (W1[_D:].T[None, :, :, None] * eye2[:, None, None, :]
            ).reshape(2 * _D, 2 * _D).astype(jnp.bfloat16)
    b1b = jnp.tile(b1, 2).reshape(2 * _D, 1)
    w2b = (W2.T[None, :, None, :] * eye2[:, None, :, None]).reshape(_D, 2 * _D)
    b2b = jnp.tile(b2, 2).reshape(_D, 1)
    wpgb = (Wp[:_D, 0][None, :, None] * eye2[:, None, :]).reshape(2, 2 * _D)
    wpmb = (Wp[_D:, 0][None, None, :] * eye2[:, :, None]).reshape(2, _D)
    res = pl.pallas_call(
        _tc_body,
        out_shape=jax.ShapeDtypeStruct((2, _H), jnp.float32),
    )(act, w1ub, w1ib, b1b, w2b, b2b, wpgb, wpmb)
    return res.reshape(-1)

# --- scband reference (transcript-rebuilt; emitter-appended) ---
"""Pipeline reference for scband-neu-mf-38405597561804 (READ-ONLY COPY).

The authoritative reference and input builder live on the scoring server;
editing this copy changes nothing except your own understanding.
"""

import jax, jax.numpy as jnp
import numpy as np

NUM_USERS = 100000
NUM_ITEMS = 100000
NUM_FACTOR = 64
MLP_DIM = 64
BATCH = 4096


def setup_inputs(seed: int = 0) -> dict:
    key = jax.random.key(seed)
    ks = jax.random.split(key, 12)
    user = jax.random.randint(ks[0], (BATCH,), 0, NUM_USERS, dtype=jnp.int64 if jax.config.jax_enable_x64 else jnp.int32)
    item = jax.random.randint(ks[1], (BATCH,), 0, NUM_ITEMS, dtype=jnp.int64 if jax.config.jax_enable_x64 else jnp.int32)
    gmf_user_table = jax.random.normal(ks[2], (NUM_USERS, NUM_FACTOR), dtype=jnp.float32) * 0.01
    gmf_item_table = jax.random.normal(ks[3], (NUM_ITEMS, NUM_FACTOR), dtype=jnp.float32) * 0.01
    mlp_user_table = jax.random.normal(ks[4], (NUM_USERS, MLP_DIM), dtype=jnp.float32) * 0.01
    mlp_item_table = jax.random.normal(ks[5], (NUM_ITEMS, MLP_DIM), dtype=jnp.float32) * 0.01
    # MLP layers: Linear(128->64) + ReLU, Linear(64->32) + ReLU
    W1 = jax.random.normal(ks[6], (2 * MLP_DIM, 64), dtype=jnp.float32) * (1.0 / np.sqrt(2 * MLP_DIM))
    b1 = jnp.zeros((64,), dtype=jnp.float32)
    W2 = jax.random.normal(ks[7], (64, 32), dtype=jnp.float32) * (1.0 / np.sqrt(64))
    b2 = jnp.zeros((32,), dtype=jnp.float32)
    # predict layer: Linear(num_factor + 32 -> 1, bias=False)
    Wp = jax.random.normal(ks[8], (NUM_FACTOR + 32, 1), dtype=jnp.float32) * (1.0 / np.sqrt(NUM_FACTOR + 32))
    return {
        "user": user, "item": item,
        "gmf_user_table": gmf_user_table, "gmf_item_table": gmf_item_table,
        "mlp_user_table": mlp_user_table, "mlp_item_table": mlp_item_table,
        "W1": W1, "b1": b1, "W2": W2, "b2": b2, "Wp": Wp,
    }


def reference(user, item, gmf_user_table, gmf_item_table, mlp_user_table, mlp_item_table, W1, b1, W2, b2, Wp):
    gmf_user_emb = jnp.take(gmf_user_table, user, axis=0)
    gmf_item_emb = jnp.take(gmf_item_table, item, axis=0)
    gmf_output = gmf_user_emb * gmf_item_emb
    mlp_user_emb = jnp.take(mlp_user_table, user, axis=0)
    mlp_item_emb = jnp.take(mlp_item_table, item, axis=0)
    mlp_cat_emb = jnp.concatenate((mlp_user_emb, mlp_item_emb), axis=-1)
    h = jax.nn.relu(mlp_cat_emb @ W1 + b1)
    mlp_output = jax.nn.relu(h @ W2 + b2)
    cat_output = jnp.concatenate((gmf_output, mlp_output), axis=-1)
    output = cat_output @ Wp
    return output.reshape(-1)

if __name__ == "__main__":
    import jax
    _d = setup_inputs()
    print(jax.jit(kernel)(*tuple(_d.values())))

</pallas_src>

<mosaic_0001>
#map = affine_map<(d0, d1) -> (0)>
#map1 = affine_map<(d0, d1) -> (0, 0)>
module attributes {stable_mosaic.version = 14 : i64} {
  func.func @_sc_sweep(%arg0: i32, %arg1: i32, %arg2: memref<4096xi32, #tpu.memory_space<hbm>>, %arg3: memref<4096xi32, #tpu.memory_space<hbm>>, %arg4: memref<64x100000xf32, #tpu.memory_space<hbm>>, %arg5: memref<64x100000xf32, #tpu.memory_space<hbm>>, %arg6: memref<64x100000xf32, #tpu.memory_space<hbm>>, %arg7: memref<64x100000xf32, #tpu.memory_space<hbm>>, %arg8: memref<256x2048xf32, #tpu.memory_space<hbm>>, %arg9: memref<8192xi32, #tpu.memory_space<vmem>>, %arg10: memref<100000xf32, #tpu.memory_space<vmem>>, %arg11: memref<2048xf32, #tpu.memory_space<vmem>>, %arg12: memref<2048xf32, #tpu.memory_space<vmem>>, %arg13: memref<!tpu.dma_semaphore, #tpu.memory_space<semaphore_mem>>, %arg14: memref<!tpu.dma_semaphore, #tpu.memory_space<semaphore_mem>>, %arg15: memref<!tpu.dma_semaphore, #tpu.memory_space<semaphore_mem>>) attributes {dimension_semantics = [#tpu.dimension_semantics<core_parallel>, #tpu.dimension_semantics<subcore_parallel>], iteration_bounds = array<i64: 2, 16>, scalar_prefetch = 0 : i64, scratch_operands = 7 : i64, tpu.core_type = #tpu.core_type<sc_vector_subcore>, window_params = [{transform_indices = #map}, {transform_indices = #map}, {transform_indices = #map1}, {transform_indices = #map1}, {transform_indices = #map1}, {transform_indices = #map1}, {transform_indices = #map1}]} {
    %mul3A = arith.constant 2 : i32
    %mul3A_0 = arith.muli %arg1, %mul3A : i32
    %add3A = arith.addi %mul3A_0, %arg0 : i32
    %jit3A = arith.constant 8 : i32
    %div3A = arith.divsi %add3A, %jit3A : i32
    %sign3A = arith.constant 0 : i32
    %sign3A_1 = arith.cmpi sgt, %add3A, %sign3A : i32
    %sign3A_2 = arith.extui %sign3A_1 : i1 to i32
    %sign3A_3 = arith.constant 0 : i32
    %sign3A_4 = arith.cmpi slt, %add3A, %sign3A_3 : i32
    %sign3A_5 = arith.extui %sign3A_4 : i1 to i32
    %sign3A_6 = arith.subi %sign3A_2, %sign3A_5 : i32
    %sign3A_7 = arith.constant 0 : i32
    %sign3A_8 = arith.cmpi sgt, %jit3A, %sign3A_7 : i32
    %sign3A_9 = arith.extui %sign3A_8 : i1 to i32
    %sign3A_10 = arith.constant 0 : i32
    %sign3A_11 = arith.cmpi slt, %jit3A, %sign3A_10 : i32
    %sign3A_12 = arith.extui %sign3A_11 : i1 to i32
    %sign3A_13 = arith.subi %sign3A_9, %sign3A_12 : i32
    %ne3A = arith.cmpi ne, %sign3A_6, %sign3A_13 : i32
    %rem3A = arith.remsi %add3A, %jit3A : i32
    %ne3A_14 = arith.constant 0 : i32
    %ne3A_15 = arith.cmpi ne, %rem3A, %ne3A_14 : i32
    %and3A = arith.andi %ne3A, %ne3A_15 : i1
    %sub3A = arith.constant 1 : i32
    %sub3A_16 = arith.subi %div3A, %sub3A : i32
    %select_n3A = arith.select %and3A, %sub3A_16, %div3A : i32
    %jit3A_17 = arith.constant 8 : i32
    %eq3A = arith.constant 0 : i32
    %eq3A_18 = arith.cmpi eq, %jit3A_17, %eq3A : i32
    %jit3A_19 = arith.constant 1 : i32
    %select_n3A_20 = arith.select %eq3A_18, %jit3A_19, %jit3A_17 : i32
    %rem3A_21 = arith.remsi %add3A, %select_n3A_20 : i32
    %ne3A_22 = arith.constant 0 : i32
    %ne3A_23 = arith.cmpi ne, %rem3A_21, %ne3A_22 : i32
    %lt3A = arith.constant 0 : i32
    %lt3A_24 = arith.cmpi slt, %rem3A_21, %lt3A : i32
    %lt3A_25 = arith.constant 0 : i32
    %lt3A_26 = arith.cmpi slt, %select_n3A_20, %lt3A_25 : i32
    %ne3A_27 = arith.xori %lt3A_24, %lt3A_26 : i1
    %and3A_28 = arith.andi %ne3A_27, %ne3A_23 : i1
    %add3A_29 = arith.addi %rem3A_21, %select_n3A_20 : i32
    %select_n3A_30 = arith.select %and3A_28, %add3A_29, %rem3A_21 : i32
    %mul3A_31 = arith.constant 8 : i32
    %mul3A_32 = arith.muli %select_n3A_30, %mul3A_31 : i32
    %eq3A_33 = arith.constant 0 : i32
    %eq3A_34 = arith.cmpi eq, %select_n3A, %eq3A_33 : i32
    %convert_element_type3A = arith.extui %eq3A_34 : i1 to i32
    %cond3A = arith.constant 0 : i32
    %cond3A_35 = arith.cmpi ne, %convert_element_type3A, %cond3A : i32
    scf.if %cond3A_35 {
      %dma_start3A = arith.constant 0 : i32
      %dma_start3A_74 = tpu.memref_slice %arg4[%mul3A_32, %dma_start3A] : memref<64x100000xf32, #tpu.memory_space<hbm>> -> memref<1x100000xf32, #tpu.memory_space<hbm>>
      %dma_start3A_75 = tpu.memref_squeeze %dma_start3A_74 : memref<1x100000xf32, #tpu.memory_space<hbm>> -> memref<100000xf32, #tpu.memory_space<hbm>>
      %dma_start3A_76 = arith.constant 0 : i32
      %dma_start3A_77 = tpu.memref_slice %arg4[%mul3A_32, %dma_start3A_76] : memref<64x100000xf32, #tpu.memory_space<hbm>> -> memref<1x100000xf32, #tpu.memory_space<hbm>>
      %dma_start3A_78 = tpu.memref_squeeze %dma_start3A_77 : memref<1x100000xf32, #tpu.memory_space<hbm>> -> memref<100000xf32, #tpu.memory_space<hbm>>
      tpu.enqueue_dma source(%dma_start3A_78 : memref<100000xf32, #tpu.memory_space<hbm>>) target(%arg10 : memref<100000xf32, #tpu.memory_space<vmem>>) target_semaphore(%arg13 : memref<!tpu.dma_semaphore, #tpu.memory_space<semaphore_mem>>)
    } else {
    }
    %eq3A_36 = arith.constant 1 : i32
    %eq3A_37 = arith.cmpi eq, %select_n3A, %eq3A_36 : i32
    %convert_element_type3A_38 = arith.extui %eq3A_37 : i1 to i32
    %cond3A_39 = arith.constant 0 : i32
    %cond3A_40 = arith.cmpi ne, %convert_element_type3A_38, %cond3A_39 : i32
    scf.if %cond3A_40 {
      %dma_start3A = arith.constant 0 : i32
      %dma_start3A_74 = tpu.memref_slice %arg5[%mul3A_32, %dma_start3A] : memref<64x100000xf32, #tpu.memory_space<hbm>> -> memref<1x100000xf32, #tpu.memory_space<hbm>>
      %dma_start3A_75 = tpu.memref_squeeze %dma_start3A_74 : memref<1x100000xf32, #tpu.memory_space<hbm>> -> memref<100000xf32, #tpu.memory_space<hbm>>
      %dma_start3A_76 = arith.constant 0 : i32
      %dma_start3A_77 = tpu.memref_slice %arg5[%mul3A_32, %dma_start3A_76] : memref<64x100000xf32, #tpu.memory_space<hbm>> -> memref<1x100000xf32, #tpu.memory_space<hbm>>
      %dma_start3A_78 = tpu.memref_squeeze %dma_start3A_77 : memref<1x100000xf32, #tpu.memory_space<hbm>> -> memref<100000xf32, #tpu.memory_space<hbm>>
      tpu.enqueue_dma source(%dma_start3A_78 : memref<100000xf32, #tpu.memory_space<hbm>>) target(%arg10 : memref<100000xf32, #tpu.memory_space<vmem>>) target_semaphore(%arg13 : memref<!tpu.dma_semaphore, #tpu.memory_space<semaphore_mem>>)
    } else {
    }
    %eq3A_41 = arith.constant 2 : i32
    %eq3A_42 = arith.cmpi eq, %select_n3A, %eq3A_41 : i32
    %convert_element_type3A_43 = arith.extui %eq3A_42 : i1 to i32
    %cond3A_44 = arith.constant 0 : i32
    %cond3A_45 = arith.cmpi ne, %convert_element_type3A_43, %cond3A_44 : i32
    scf.if %cond3A_45 {
      %dma_start3A = arith.constant 0 : i32
      %dma_start3A_74 = tpu.memref_slice %arg6[%mul3A_32, %dma_start3A] : memref<64x100000xf32, #tpu.memory_space<hbm>> -> memref<1x100000xf32, #tpu.memory_space<hbm>>
      %dma_start3A_75 = tpu.memref_squeeze %dma_start3A_74 : memref<1x100000xf32, #tpu.memory_space<hbm>> -> memref<100000xf32, #tpu.memory_space<hbm>>
      %dma_start3A_76 = arith.constant 0 : i32
      %dma_start3A_77 = tpu.memref_slice %arg6[%mul3A_32, %dma_start3A_76] : memref<64x100000xf32, #tpu.memory_space<hbm>> -> memref<1x100000xf32, #tpu.memory_space<hbm>>
      %dma_start3A_78 = tpu.memref_squeeze %dma_start3A_77 : memref<1x100000xf32, #tpu.memory_space<hbm>> -> memref<100000xf32, #tpu.memory_space<hbm>>
      tpu.enqueue_dma source(%dma_start3A_78 : memref<100000xf32, #tpu.memory_space<hbm>>) target(%arg10 : memref<100000xf32, #tpu.memory_space<vmem>>) target_semaphore(%arg13 : memref<!tpu.dma_semaphore, #tpu.memory_space<semaphore_mem>>)
    } else {
    }
    %eq3A_46 = arith.constant 3 : i32
    %eq3A_47 = arith.cmpi eq, %select_n3A, %eq3A_46 : i32
    %convert_element_type3A_48 = arith.extui %eq3A_47 : i1 to i32
    %cond3A_49 = arith.constant 0 : i32
    %cond3A_50 = arith.cmpi ne, %convert_element_type3A_48, %cond3A_49 : i32
    scf.if %cond3A_50 {
      %dma_start3A = arith.constant 0 : i32
      %dma_start3A_74 = tpu.memref_slice %arg7[%mul3A_32, %dma_start3A] : memref<64x100000xf32, #tpu.memory_space<hbm>> -> memref<1x100000xf32, #tpu.memory_space<hbm>>
      %dma_start3A_75 = tpu.memref_squeeze %dma_start3A_74 : memref<1x100000xf32, #tpu.memory_space<hbm>> -> memref<100000xf32, #tpu.memory_space<hbm>>
      %dma_start3A_76 = arith.constant 0 : i32
      %dma_start3A_77 = tpu.memref_slice %arg7[%mul3A_32, %dma_start3A_76] : memref<64x100000xf32, #tpu.memory_space<hbm>> -> memref<1x100000xf32, #tpu.memory_space<hbm>>
      %dma_start3A_78 = tpu.memref_squeeze %dma_start3A_77 : memref<1x100000xf32, #tpu.memory_space<hbm>> -> memref<100000xf32, #tpu.memory_space<hbm>>
      tpu.enqueue_dma source(%dma_start3A_78 : memref<100000xf32, #tpu.memory_space<hbm>>) target(%arg10 : memref<100000xf32, #tpu.memory_space<vmem>>) target_semaphore(%arg13 : memref<!tpu.dma_semaphore, #tpu.memory_space<semaphore_mem>>)
    } else {
    }
    "tpu.region"() ({
      %run_scoped3A = tpu.sem_alloc : memref<!tpu.dma_semaphore, #tpu.memory_space<semaphore_mem>>
      %dma_start3A = arith.constant 0 : i32
      %dma_start3A_74 = tpu.memref_slice %arg9[%dma_start3A] : memref<8192xi32, #tpu.memory_space<vmem>> -> memref<4096xi32, #tpu.memory_space<vmem>>
      %dma_start3A_75 = arith.constant 0 : i32
      %dma_start3A_76 = tpu.memref_slice %arg9[%dma_start3A_75] : memref<8192xi32, #tpu.memory_space<vmem>> -> memref<4096xi32, #tpu.memory_space<vmem>>
      tpu.enqueue_dma source(%arg2 : memref<4096xi32, #tpu.memory_space<hbm>>) target(%dma_start3A_76 : memref<4096xi32, #tpu.memory_space<vmem>>) target_semaphore(%run_scoped3A : memref<!tpu.dma_semaphore, #tpu.memory_space<semaphore_mem>>)
      %dma_wait3A = arith.constant 0 : i32
      %dma_wait3A_77 = tpu.memref_slice %arg9[%dma_wait3A] : memref<8192xi32, #tpu.memory_space<vmem>> -> memref<4096xi32, #tpu.memory_space<vmem>>
      %dma_wait3A_78 = arith.constant 0 : i32
      %dma_wait3A_79 = tpu.memref_slice %arg9[%dma_wait3A_78] : memref<8192xi32, #tpu.memory_space<vmem>> -> memref<4096xi32, #tpu.memory_space<vmem>>
      tpu.wait_dma2 semaphore(%run_scoped3A : memref<!tpu.dma_semaphore, #tpu.memory_space<semaphore_mem>>) src(%arg2 : memref<4096xi32, #tpu.memory_space<hbm>>) dst(%dma_wait3A_79 : memref<4096xi32, #tpu.memory_space<vmem>>)
      tpu.yield
    }) : () -> ()
    "tpu.region"() ({
      %run_scoped3A = tpu.sem_alloc : memref<!tpu.dma_semaphore, #tpu.memory_space<semaphore_mem>>
      %dma_start3A = arith.constant 4096 : i32
      %dma_start3A_74 = tpu.memref_slice %arg9[%dma_start3A] : memref<8192xi32, #tpu.memory_space<vmem>> -> memref<4096xi32, #tpu.memory_space<vmem>>
      %dma_start3A_75 = arith.constant 4096 : i32
      %dma_start3A_76 = tpu.memref_slice %arg9[%dma_start3A_75] : memref<8192xi32, #tpu.memory_space<vmem>> -> memref<4096xi32, #tpu.memory_space<vmem>>
      tpu.enqueue_dma source(%arg3 : memref<4096xi32, #tpu.memory_space<hbm>>) target(%dma_start3A_76 : memref<4096xi32, #tpu.memory_space<vmem>>) target_semaphore(%run_scoped3A : memref<!tpu.dma_semaphore, #tpu.memory_space<semaphore_mem>>)
      %dma_wait3A = arith.constant 4096 : i32
      %dma_wait3A_77 = tpu.memref_slice %arg9[%dma_wait3A] : memref<8192xi32, #tpu.memory_space<vmem>> -> memref<4096xi32, #tpu.memory_space<vmem>>
      %dma_wait3A_78 = arith.constant 4096 : i32
      %dma_wait3A_79 = tpu.memref_slice %arg9[%dma_wait3A_78] : memref<8192xi32, #tpu.memory_space<vmem>> -> memref<4096xi32, #tpu.memory_space<vmem>>
      tpu.wait_dma2 semaphore(%run_scoped3A : memref<!tpu.dma_semaphore, #tpu.memory_space<semaphore_mem>>) src(%arg3 : memref<4096xi32, #tpu.memory_space<hbm>>) dst(%dma_wait3A_79 : memref<4096xi32, #tpu.memory_space<vmem>>)
      tpu.yield
    }) : () -> ()
    %jit3A_51 = arith.constant 2 : i32
    %eq3A_52 = arith.constant 0 : i32
    %eq3A_53 = arith.cmpi eq, %jit3A_51, %eq3A_52 : i32
    %jit3A_54 = arith.constant 1 : i32
    %select_n3A_55 = arith.select %eq3A_53, %jit3A_54, %jit3A_51 : i32
    %rem3A_56 = arith.remsi %select_n3A, %select_n3A_55 : i32
    %ne3A_57 = arith.constant 0 : i32
    %ne3A_58 = arith.cmpi ne, %rem3A_56, %ne3A_57 : i32
    %lt3A_59 = arith.constant 0 : i32
    %lt3A_60 = arith.cmpi slt, %rem3A_56, %lt3A_59 : i32
    %lt3A_61 = arith.constant 0 : i32
    %lt3A_62 = arith.cmpi slt, %select_n3A_55, %lt3A_61 : i32
    %ne3A_63 = arith.xori %lt3A_60, %lt3A_62 : i1
    %and3A_64 = arith.andi %ne3A_63, %ne3A_58 : i1
    %add3A_65 = arith.addi %rem3A_56, %select_n3A_55 : i32
    %select_n3A_66 = arith.select %and3A_64, %add3A_65, %rem3A_56 : i32
    %mul3A_67 = arith.constant 4096 : i32
    %mul3A_68 = arith.muli %select_n3A_66, %mul3A_67 : i32
    %scan3A = arith.constant 0 : i32
    %scan3A_69 = arith.constant 0 : i32
    %scan3A_70 = arith.constant 4 : i32
    %scan3A_71 = arith.addi %scan3A_69, %scan3A_70 : i32
    %scan3A_72 = arith.constant 1 : i32
    scf.for %scan3A_74 = %scan3A_69 to %scan3A_71 step %scan3A_72  : i32 {
      %mul3A_75 = arith.constant 2 : i32
      %mul3A_76 = arith.muli %scan3A_74, %mul3A_75 : i32
      %add3A_77 = arith.addi %mul3A_32, %mul3A_76 : i32
      %dma_wait3A = arith.constant 0 : i32
      %dma_wait3A_78 = tpu.memref_slice %arg4[%add3A_77, %dma_wait3A] : memref<64x100000xf32, #tpu.memory_space<hbm>> -> memref<1x100000xf32, #tpu.memory_space<hbm>>
      %dma_wait3A_79 = tpu.memref_squeeze %dma_wait3A_78 : memref<1x100000xf32, #tpu.memory_space<hbm>> -> memref<100000xf32, #tpu.memory_space<hbm>>
      %dma_wait3A_80 = arith.constant 0 : i32
      %dma_wait3A_81 = tpu.memref_slice %arg4[%add3A_77, %dma_wait3A_80] : memref<64x100000xf32, #tpu.memory_space<hbm>> -> memref<1x100000xf32, #tpu.memory_space<hbm>>
      %dma_wait3A_82 = tpu.memref_squeeze %dma_wait3A_81 : memref<1x100000xf32, #tpu.memory_space<hbm>> -> memref<100000xf32, #tpu.memory_space<hbm>>
      tpu.wait_dma2 semaphore(%arg13 : memref<!tpu.dma_semaphore, #tpu.memory_space<semaphore_mem>>) src(%dma_wait3A_82 : memref<100000xf32, #tpu.memory_space<hbm>>) dst(%arg10 : memref<100000xf32, #tpu.memory_space<vmem>>)
      %scan3A_83 = arith.constant 0 : i32
      %scan3A_84 = arith.constant 0 : i32
      %scan3A_85 = arith.constant 32 : i32
      %scan3A_86 = arith.addi %scan3A_84, %scan3A_85 : i32
      %scan3A_87 = arith.constant 1 : i32
      scf.for %scan3A_145 = %scan3A_84 to %scan3A_86 step %scan3A_87  : i32 {
        %mul3A_146 = arith.constant 4 : i32
        %mul3A_147 = arith.muli %scan3A_145, %mul3A_146 : i32
        %add3A_148 = arith.constant 0 : i32
        %add3A_149 = arith.addi %mul3A_147, %add3A_148 : i32
        %mul3A_150 = arith.constant 16 : i32
        %mul3A_151 = arith.muli %add3A_149, %mul3A_150 : i32
        %add3A_152 = arith.addi %mul3A_68, %mul3A_151 : i32
        %get3A = arith.index_cast %add3A_152 : i32 to index
        %get3A_153 = tpu.vector_load %arg9[%get3A] {strides = array<i32>} : memref<8192xi32, #tpu.memory_space<vmem>>, vector<16xi32>,
        %add3A_154 = arith.constant 2048 : i32
        %add3A_155 = arith.addi %mul3A_68, %add3A_154 : i32
        %mul3A_156 = arith.constant 16 : i32
        %mul3A_157 = arith.muli %add3A_149, %mul3A_156 : i32
        %add3A_158 = arith.addi %add3A_155, %mul3A_157 : i32
        %get3A_159 = arith.index_cast %add3A_158 : i32 to index
        %get3A_160 = tpu.vector_load %arg9[%get3A_159] {strides = array<i32>} : memref<8192xi32, #tpu.memory_space<vmem>>, vector<16xi32>,
        %gather3A = tpu.vector_load_idx %arg10[%get3A_153] : memref<100000xf32, #tpu.memory_space<vmem>>[vector<16xi32>], vector<16xf32>,
        %gather3A_161 = tpu.vector_load_idx %arg10[%get3A_160] : memref<100000xf32, #tpu.memory_space<vmem>>[vector<16xi32>], vector<16xf32>,
        %pack3A = tpu.pack_subelements %gather3A, %gather3A_161 {pack_format = #tpu.pack_format<interleaved>, positions = array<i32: 0, 1>} : vector<16xf32>, vector<16xf32> -> vector<32xbf16>
        %bitcast3A = vector.bitcast %pack3A : vector<32xbf16> to vector<16xf32>
        %mul3A_162 = arith.constant 16 : i32
        %mul3A_163 = arith.muli %add3A_149, %mul3A_162 : i32
        %swap3A = arith.index_cast %mul3A_163 : i32 to index
        %swap3A_164 = tpu.vector_load %arg11[%swap3A] {strides = array<i32>} : memref<2048xf32, #tpu.memory_space<vmem>>, vector<16xf32>,
        tpu.vector_store %arg11[%swap3A], %bitcast3A {strides = array<i32>} : memref<2048xf32, #tpu.memory_space<vmem>>, vector<16xf32>,
        %mul3A_165 = arith.constant 4 : i32
        %mul3A_166 = arith.muli %scan3A_145, %mul3A_165 : i32
        %add3A_167 = arith.constant 1 : i32
        %add3A_168 = arith.addi %mul3A_166, %add3A_167 : i32
        %mul3A_169 = arith.constant 16 : i32
        %mul3A_170 = arith.muli %add3A_168, %mul3A_169 : i32
        %add3A_171 = arith.addi %mul3A_68, %mul3A_170 : i32
        %get3A_172 = arith.index_cast %add3A_171 : i32 to index
        %get3A_173 = tpu.vector_load %arg9[%get3A_172] {strides = array<i32>} : memref<8192xi32, #tpu.memory_space<vmem>>, vector<16xi32>,
        %add3A_174 = arith.constant 2048 : i32
        %add3A_175 = arith.addi %mul3A_68, %add3A_174 : i32
        %mul3A_176 = arith.constant 16 : i32
        %mul3A_177 = arith.muli %add3A_168, %mul3A_176 : i32
        %add3A_178 = arith.addi %add3A_175, %mul3A_177 : i32
        %get3A_179 = arith.index_cast %add3A_178 : i32 to index
        %get3A_180 = tpu.vector_load %arg9[%get3A_179] {strides = array<i32>} : memref<8192xi32, #tpu.memory_space<vmem>>, vector<16xi32>,
        %gather3A_181 = tpu.vector_load_idx %arg10[%get3A_173] : memref<100000xf32, #tpu.memory_space<vmem>>[vector<16xi32>], vector<16xf32>,
        %gather3A_182 = tpu.vector_load_idx %arg10[%get3A_180] : memref<100000xf32, #tpu.memory_space<vmem>>[vector<16xi32>], vector<16xf32>,
        %pack3A_183 = tpu.pack_subelements %gather3A_181, %gather3A_182 {pack_format = #tpu.pack_format<interleaved>, positions = array<i32: 0, 1>} : vector<16xf32>, vector<16xf32> -> vector<32xbf16>
        %bitcast3A_184 = vector.bitcast %pack3A_183 : vector<32xbf16> to vector<16xf32>
        %mul3A_185 = arith.constant 16 : i32
        %mul3A_186 = arith.muli %add3A_168, %mul3A_185 : i32
        %swap3A_187 = arith.index_cast %mul3A_186 : i32 to index
        %swap3A_188 = tpu.vector_load %arg11[%swap3A_187] {strides = array<i32>} : memref<2048xf32, #tpu.memory_space<vmem>>, vector<16xf32>,
        tpu.vector_store %arg11[%swap3A_187], %bitcast3A_184 {strides = array<i32>} : memref<2048xf32, #tpu.memory_space<vmem>>, vector<16xf32>,
        %mul3A_189 = arith.constant 4 : i32
        %mul3A_190 = arith.muli %scan3A_145, %mul3A_189 : i32
        %add3A_191 = arith.constant 2 : i32
        %add3A_192 = arith.addi %mul3A_190, %add3A_191 : i32
        %mul3A_193 = arith.constant 16 : i32
        %mul3A_194 = arith.muli %add3A_192, %mul3A_193 : i32
        %add3A_195 = arith.addi %mul3A_68, %mul3A_194 : i32
        %get3A_196 = arith.index_cast %add3A_195 : i32 to index
        %get3A_197 = tpu.vector_load %arg9[%get3A_196] {strides = array<i32>} : memref<8192xi32, #tpu.memory_space<vmem>>, vector<16xi32>,
        %add3A_198 = arith.constant 2048 : i32
        %add3A_199 = arith.addi %mul3A_68, %add3A_198 : i32
        %mul3A_200 = arith.constant 16 : i32
        %mul3A_201 = arith.muli %add3A_192, %mul3A_200 : i32
        %add3A_202 = arith.addi %add3A_199, %mul3A_201 : i32
        %get3A_203 = arith.index_cast %add3A_202 : i32 to index
        %get3A_204 = tpu.vector_load %arg9[%get3A_203] {strides = array<i32>} : memref<8192xi32, #tpu.memory_space<vmem>>, vector<16xi32>,
        %gather3A_205 = tpu.vector_load_idx %arg10[%get3A_197] : memref<100000xf32, #tpu.memory_space<vmem>>[vector<16xi32>], vector<16xf32>,
        %gather3A_206 = tpu.vector_load_idx %arg10[%get3A_204] : memref<100000xf32, #tpu.memory_space<vmem>>[vector<16xi32>], vector<16xf32>,
        %pack3A_207 = tpu.pack_subelements %gather3A_205, %gather3A_206 {pack_format = #tpu.pack_format<interleaved>, positions = array<i32: 0, 1>} : vector<16xf32>, vector<16xf32> -> vector<32xbf16>
        %bitcast3A_208 = vector.bitcast %pack3A_207 : vector<32xbf16> to vector<16xf32>
        %mul3A_209 = arith.constant 16 : i32
        %mul3A_210 = arith.muli %add3A_192, %mul3A_209 : i32
        %swap3A_211 = arith.index_cast %mul3A_210 : i32 to index
        %swap3A_212 = tpu.vector_load %arg11[%swap3A_211] {strides = array<i32>} : memref<2048xf32, #tpu.memory_space<vmem>>, vector<16xf32>,
        tpu.vector_store %arg11[%swap3A_211], %bitcast3A_208 {strides = array<i32>} : memref<2048xf32, #tpu.memory_space<vmem>>, vector<16xf32>,
        %mul3A_213 = arith.constant 4 : i32
        %mul3A_214 = arith.muli %scan3A_145, %mul3A_213 : i32
        %add3A_215 = arith.constant 3 : i32
        %add3A_216 = arith.addi %mul3A_214, %add3A_215 : i32
        %mul3A_217 = arith.constant 16 : i32
        %mul3A_218 = arith.muli %add3A_216, %mul3A_217 : i32
        %add3A_219 = arith.addi %mul3A_68, %mul3A_218 : i32
        %get3A_220 = arith.index_cast %add3A_219 : i32 to index
        %get3A_221 = tpu.vector_load %arg9[%get3A_220] {strides = array<i32>} : memref<8192xi32, #tpu.memory_space<vmem>>, vector<16xi32>,
        %add3A_222 = arith.constant 2048 : i32
        %add3A_223 = arith.addi %mul3A_68, %add3A_222 : i32
        %mul3A_224 = arith.constant 16 : i32
        %mul3A_225 = arith.muli %add3A_216, %mul3A_224 : i32
        %add3A_226 = arith.addi %add3A_223, %mul3A_225 : i32
        %get3A_227 = arith.index_cast %add3A_226 : i32 to index
        %get3A_228 = tpu.vector_load %arg9[%get3A_227] {strides = array<i32>} : memref<8192xi32, #tpu.memory_space<vmem>>, vector<16xi32>,
        %gather3A_229 = tpu.vector_load_idx %arg10[%get3A_221] : memref<100000xf32, #tpu.memory_space<vmem>>[vector<16xi32>], vector<16xf32>,
        %gather3A_230 = tpu.vector_load_idx %arg10[%get3A_228] : memref<100000xf32, #tpu.memory_space<vmem>>[vector<16xi32>], vector<16xf32>,
        %pack3A_231 = tpu.pack_subelements %gather3A_229, %gather3A_230 {pack_format = #tpu.pack_format<interleaved>, positions = array<i32: 0, 1>} : vector<16xf32>, vector<16xf32> -> vector<32xbf16>
        %bitcast3A_232 = vector.bitcast %pack3A_231 : vector<32xbf16> to vector<16xf32>
        %mul3A_233 = arith.constant 16 : i32
        %mul3A_234 = arith.muli %add3A_216, %mul3A_233 : i32
        %swap3A_235 = arith.index_cast %mul3A_234 : i32 to index
        %swap3A_236 = tpu.vector_load %arg11[%swap3A_235] {strides = array<i32>} : memref<2048xf32, #tpu.memory_space<vmem>>, vector<16xf32>,
        tpu.vector_store %arg11[%swap3A_235], %bitcast3A_232 {strides = array<i32>} : memref<2048xf32, #tpu.memory_space<vmem>>, vector<16xf32>,
      }
      %scan3A_88 = arith.constant 32 : i32
      %lt3A_89 = arith.constant 7 : i32
      %lt3A_90 = arith.cmpi slt, %mul3A_76, %lt3A_89 : i32
      %convert_element_type3A_91 = arith.extui %lt3A_90 : i1 to i32
      %cond3A_92 = arith.constant 0 : i32
      %cond3A_93 = arith.cmpi ne, %convert_element_type3A_91, %cond3A_92 : i32
      scf.if %cond3A_93 {
        %add3A_145 = arith.constant 1 : i32
        %add3A_146 = arith.addi %add3A_77, %add3A_145 : i32
        %eq3A_147 = arith.constant 0 : i32
        %eq3A_148 = arith.cmpi eq, %select_n3A, %eq3A_147 : i32
        %convert_element_type3A_149 = arith.extui %eq3A_148 : i1 to i32
        %cond3A_150 = arith.constant 0 : i32
        %cond3A_151 = arith.cmpi ne, %convert_element_type3A_149, %cond3A_150 : i32
        scf.if %cond3A_151 {
          %dma_start3A_167 = arith.constant 0 : i32
          %dma_start3A_168 = tpu.memref_slice %arg4[%add3A_146, %dma_start3A_167] : memref<64x100000xf32, #tpu.memory_space<hbm>> -> memref<1x100000xf32, #tpu.memory_space<hbm>>
          %dma_start3A_169 = tpu.memref_squeeze %dma_start3A_168 : memref<1x100000xf32, #tpu.memory_space<hbm>> -> memref<100000xf32, #tpu.memory_space<hbm>>
          %dma_start3A_170 = arith.constant 0 : i32
          %dma_start3A_171 = tpu.memref_slice %arg4[%add3A_146, %dma_start3A_170] : memref<64x100000xf32, #tpu.memory_space<hbm>> -> memref<1x100000xf32, #tpu.memory_space<hbm>>
          %dma_start3A_172 = tpu.memref_squeeze %dma_start3A_171 : memref<1x100000xf32, #tpu.memory_space<hbm>> -> memref<100000xf32, #tpu.memory_space<hbm>>
          tpu.enqueue_dma source(%dma_start3A_172 : memref<100000xf32, #tpu.memory_space<hbm>>) target(%arg10 : memref<100000xf32, #tpu.memory_space<vmem>>) target_semaphore(%arg13 : memref<!tpu.dma_semaphore, #tpu.memory_space<semaphore_mem>>)
        } else {
        }
        %eq3A_152 = arith.constant 1 : i32
        %eq3A_153 = arith.cmpi eq, %select_n3A, %eq3A_152 : i32
        %convert_element_type3A_154 = arith.extui %eq3A_153 : i1 to i32
        %cond3A_155 = arith.constant 0 : i32
        %cond3A_156 = arith.cmpi ne, %convert_element_type3A_154, %cond3A_155 : i32
        scf.if %cond3A_156 {
          %dma_start3A_167 = arith.constant 0 : i32
          %dma_start3A_168 = tpu.memref_slice %arg5[%add3A_146, %dma_start3A_167] : memref<64x100000xf32, #tpu.memory_space<hbm>> -> memref<1x100000xf32, #tpu.memory_space<hbm>>
          %dma_start3A_169 = tpu.memref_squeeze %dma_start3A_168 : memref<1x100000xf32, #tpu.memory_space<hbm>> -> memref<100000xf32, #tpu.memory_space<hbm>>
          %dma_start3A_170 = arith.constant 0 : i32
          %dma_start3A_171 = tpu.memref_slice %arg5[%add3A_146, %dma_start3A_170] : memref<64x100000xf32, #tpu.memory_space<hbm>> -> memref<1x100000xf32, #tpu.memory_space<hbm>>
          %dma_start3A_172 = tpu.memref_squeeze %dma_start3A_171 : memref<1x100000xf32, #tpu.memory_space<hbm>> -> memref<100000xf32, #tpu.memory_space<hbm>>
          tpu.enqueue_dma source(%dma_start3A_172 : memref<100000xf32, #tpu.memory_space<hbm>>) target(%arg10 : memref<100000xf32, #tpu.memory_space<vmem>>) target_semaphore(%arg13 : memref<!tpu.dma_semaphore, #tpu.memory_space<semaphore_mem>>)
        } else {
        }
        %eq3A_157 = arith.constant 2 : i32
        %eq3A_158 = arith.cmpi eq, %select_n3A, %eq3A_157 : i32
        %convert_element_type3A_159 = arith.extui %eq3A_158 : i1 to i32
        %cond3A_160 = arith.constant 0 : i32
        %cond3A_161 = arith.cmpi ne, %convert_element_type3A_159, %cond3A_160 : i32
        scf.if %cond3A_161 {
          %dma_start3A_167 = arith.constant 0 : i32
          %dma_start3A_168 = tpu.memref_slice %arg6[%add3A_146, %dma_start3A_167] : memref<64x100000xf32, #tpu.memory_space<hbm>> -> memref<1x100000xf32, #tpu.memory_space<hbm>>
          %dma_start3A_169 = tpu.memref_squeeze %dma_start3A_168 : memref<1x100000xf32, #tpu.memory_space<hbm>> -> memref<100000xf32, #tpu.memory_space<hbm>>
          %dma_start3A_170 = arith.constant 0 : i32
          %dma_start3A_171 = tpu.memref_slice %arg6[%add3A_146, %dma_start3A_170] : memref<64x100000xf32, #tpu.memory_space<hbm>> -> memref<1x100000xf32, #tpu.memory_space<hbm>>
          %dma_start3A_172 = tpu.memref_squeeze %dma_start3A_171 : memref<1x100000xf32, #tpu.memory_space<hbm>> -> memref<100000xf32, #tpu.memory_space<hbm>>
          tpu.enqueue_dma source(%dma_start3A_172 : memref<100000xf32, #tpu.memory_space<hbm>>) target(%arg10 : memref<100000xf32, #tpu.memory_space<vmem>>) target_semaphore(%arg13 : memref<!tpu.dma_semaphore, #tpu.memory_space<semaphore_mem>>)
        } else {
        }
        %eq3A_162 = arith.constant 3 : i32
        %eq3A_163 = arith.cmpi eq, %select_n3A, %eq3A_162 : i32
        %convert_element_type3A_164 = arith.extui %eq3A_163 : i1 to i32
        %cond3A_165 = arith.constant 0 : i32
        %cond3A_166 = arith.cmpi ne, %convert_element_type3A_164, %cond3A_165 : i32
        scf.if %cond3A_166 {
          %dma_start3A_167 = arith.constant 0 : i32
          %dma_start3A_168 = tpu.memref_slice %arg7[%add3A_146, %dma_start3A_167] : memref<64x100000xf32, #tpu.memory_space<hbm>> -> memref<1x100000xf32, #tpu.memory_space<hbm>>
          %dma_start3A_169 = tpu.memref_squeeze %dma_start3A_168 : memref<1x100000xf32, #tpu.memory_space<hbm>> -> memref<100000xf32, #tpu.memory_space<hbm>>
          %dma_start3A_170 = arith.constant 0 : i32
          %dma_start3A_171 = tpu.memref_slice %arg7[%add3A_146, %dma_start3A_170] : memref<64x100000xf32, #tpu.memory_space<hbm>> -> memref<1x100000xf32, #tpu.memory_space<hbm>>
          %dma_start3A_172 = tpu.memref_squeeze %dma_start3A_171 : memref<1x100000xf32, #tpu.memory_space<hbm>> -> memref<100000xf32, #tpu.memory_space<hbm>>
          tpu.enqueue_dma source(%dma_start3A_172 : memref<100000xf32, #tpu.memory_space<hbm>>) target(%arg10 : memref<100000xf32, #tpu.memory_space<vmem>>) target_semaphore(%arg13 : memref<!tpu.dma_semaphore, #tpu.memory_space<semaphore_mem>>)
        } else {
        }
      } else {
      }
      %mul3A_94 = arith.constant 8 : i32
      %mul3A_95 = arith.muli %add3A, %mul3A_94 : i32
      %add3A_96 = arith.addi %mul3A_95, %mul3A_76 : i32
      %dma_start3A = arith.constant 0 : i32
      %dma_start3A_97 = tpu.memref_slice %arg8[%add3A_96, %dma_start3A] : memref<256x2048xf32, #tpu.memory_space<hbm>> -> memref<1x2048xf32, #tpu.memory_space<hbm>>
      %dma_start3A_98 = tpu.memref_squeeze %dma_start3A_97 : memref<1x2048xf32, #tpu.memory_space<hbm>> -> memref<2048xf32, #tpu.memory_space<hbm>>
      %dma_start3A_99 = arith.constant 0 : i32
      %dma_start3A_100 = tpu.memref_slice %arg8[%add3A_96, %dma_start3A_99] : memref<256x2048xf32, #tpu.memory_space<hbm>> -> memref<1x2048xf32, #tpu.memory_space<hbm>>
      %dma_start3A_101 = tpu.memref_squeeze %dma_start3A_100 : memref<1x2048xf32, #tpu.memory_space<hbm>> -> memref<2048xf32, #tpu.memory_space<hbm>>
      tpu.enqueue_dma source(%arg11 : memref<2048xf32, #tpu.memory_space<vmem>>) target(%dma_start3A_101 : memref<2048xf32, #tpu.memory_space<hbm>>) target_semaphore(%arg14 : memref<!tpu.dma_semaphore, #tpu.memory_space<semaphore_mem>>)
      %mul3A_102 = arith.constant 2 : i32
      %mul3A_103 = arith.muli %scan3A_74, %mul3A_102 : i32
      %add3A_104 = arith.constant 1 : i32
      %add3A_105 = arith.addi %mul3A_103, %add3A_104 : i32
      %add3A_106 = arith.addi %mul3A_32, %add3A_105 : i32
      %dma_wait3A_107 = arith.constant 0 : i32
      %dma_wait3A_108 = tpu.memref_slice %arg4[%add3A_106, %dma_wait3A_107] : memref<64x100000xf32, #tpu.memory_space<hbm>> -> memref<1x100000xf32, #tpu.memory_space<hbm>>
      %dma_wait3A_109 = tpu.memref_squeeze %dma_wait3A_108 : memref<1x100000xf32, #tpu.memory_space<hbm>> -> memref<100000xf32, #tpu.memory_space<hbm>>
      %dma_wait3A_110 = arith.constant 0 : i32
      %dma_wait3A_111 = tpu.memref_slice %arg4[%add3A_106, %dma_wait3A_110] : memref<64x100000xf32, #tpu.memory_space<hbm>> -> memref<1x100000xf32, #tpu.memory_space<hbm>>
      %dma_wait3A_112 = tpu.memref_squeeze %dma_wait3A_111 : memref<1x100000xf32, #tpu.memory_space<hbm>> -> memref<100000xf32, #tpu.memory_space<hbm>>
      tpu.wait_dma2 semaphore(%arg13 : memref<!tpu.dma_semaphore, #tpu.memory_space<semaphore_mem>>) src(%dma_wait3A_112 : memref<100000xf32, #tpu.memory_space<hbm>>) dst(%arg10 : memref<100000xf32, #tpu.memory_space<vmem>>)
      %scan3A_113 = arith.constant 0 : i32
      %scan3A_114 = arith.constant 0 : i32
      %scan3A_115 = arith.constant 32 : i32
      %scan3A_116 = arith.addi %scan3A_114, %scan3A_115 : i32
      %scan3A_117 = arith.constant 1 : i32
      scf.for %scan3A_145 = %scan3A_114 to %scan3A_116 step %scan3A_117  : i32 {
        %mul3A_146 = arith.constant 4 : i32
        %mul3A_147 = arith.muli %scan3A_145, %mul3A_146 : i32
        %add3A_148 = arith.constant 0 : i32
        %add3A_149 = arith.addi %mul3A_147, %add3A_148 : i32
        %mul3A_150 = arith.constant 16 : i32
        %mul3A_151 = arith.muli %add3A_149, %mul3A_150 : i32
        %add3A_152 = arith.addi %mul3A_68, %mul3A_151 : i32
        %get3A = arith.index_cast %add3A_152 : i32 to index
        %get3A_153 = tpu.vector_load %arg9[%get3A] {strides = array<i32>} : memref<8192xi32, #tpu.memory_space<vmem>>, vector<16xi32>,
        %add3A_154 = arith.constant 2048 : i32
        %add3A_155 = arith.addi %mul3A_68, %add3A_154 : i32
        %mul3A_156 = arith.constant 16 : i32
        %mul3A_157 = arith.muli %add3A_149, %mul3A_156 : i32
        %add3A_158 = arith.addi %add3A_155, %mul3A_157 : i32
        %get3A_159 = arith.index_cast %add3A_158 : i32 to index
        %get3A_160 = tpu.vector_load %arg9[%get3A_159] {strides = array<i32>} : memref<8192xi32, #tpu.memory_space<vmem>>, vector<16xi32>,
        %gather3A = tpu.vector_load_idx %arg10[%get3A_153] : memref<100000xf32, #tpu.memory_space<vmem>>[vector<16xi32>], vector<16xf32>,
        %gather3A_161 = tpu.vector_load_idx %arg10[%get3A_160] : memref<100000xf32, #tpu.memory_space<vmem>>[vector<16xi32>], vector<16xf32>,
        %pack3A = tpu.pack_subelements %gather3A, %gather3A_161 {pack_format = #tpu.pack_format<interleaved>, positions = array<i32: 0, 1>} : vector<16xf32>, vector<16xf32> -> vector<32xbf16>
        %bitcast3A = vector.bitcast %pack3A : vector<32xbf16> to vector<16xf32>
        %mul3A_162 = arith.constant 16 : i32
        %mul3A_163 = arith.muli %add3A_149, %mul3A_162 : i32
        %swap3A = arith.index_cast %mul3A_163 : i32 to index
        %swap3A_164 = tpu.vector_load %arg12[%swap3A] {strides = array<i32>} : memref<2048xf32, #tpu.memory_space<vmem>>, vector<16xf32>,
        tpu.vector_store %arg12[%swap3A], %bitcast3A {strides = array<i32>} : memref<2048xf32, #tpu.memory_space<vmem>>, vector<16xf32>,
        %mul3A_165 = arith.constant 4 : i32
        %mul3A_166 = arith.muli %scan3A_145, %mul3A_165 : i32
        %add3A_167 = arith.constant 1 : i32
        %add3A_168 = arith.addi %mul3A_166, %add3A_167 : i32
        %mul3A_169 = arith.constant 16 : i32
        %mul3A_170 = arith.muli %add3A_168, %mul3A_169 : i32
        %add3A_171 = arith.addi %mul3A_68, %mul3A_170 : i32
        %get3A_172 = arith.index_cast %add3A_171 : i32 to index
        %get3A_173 = tpu.vector_load %arg9[%get3A_172] {strides = array<i32>} : memref<8192xi32, #tpu.memory_space<vmem>>, vector<16xi32>,
        %add3A_174 = arith.constant 2048 : i32
        %add3A_175 = arith.addi %mul3A_68, %add3A_174 : i32
        %mul3A_176 = arith.constant 16 : i32
        %mul3A_177 = arith.muli %add3A_168, %mul3A_176 : i32
        %add3A_178 = arith.addi %add3A_175, %mul3A_177 : i32
        %get3A_179 = arith.index_cast %add3A_178 : i32 to index
        %get3A_180 = tpu.vector_load %arg9[%get3A_179] {strides = array<i32>} : memref<8192xi32, #tpu.memory_space<vmem>>, vector<16xi32>,
        %gather3A_181 = tpu.vector_load_idx %arg10[%get3A_173] : memref<100000xf32, #tpu.memory_space<vmem>>[vector<16xi32>], vector<16xf32>,
        %gather3A_182 = tpu.vector_load_idx %arg10[%get3A_180] : memref<100000xf32, #tpu.memory_space<vmem>>[vector<16xi32>], vector<16xf32>,
        %pack3A_183 = tpu.pack_subelements %gather3A_181, %gather3A_182 {pack_format = #tpu.pack_format<interleaved>, positions = array<i32: 0, 1>} : vector<16xf32>, vector<16xf32> -> vector<32xbf16>
        %bitcast3A_184 = vector.bitcast %pack3A_183 : vector<32xbf16> to vector<16xf32>
        %mul3A_185 = arith.constant 16 : i32
        %mul3A_186 = arith.muli %add3A_168, %mul3A_185 : i32
        %swap3A_187 = arith.index_cast %mul3A_186 : i32 to index
        %swap3A_188 = tpu.vector_load %arg12[%swap3A_187] {strides = array<i32>} : memref<2048xf32, #tpu.memory_space<vmem>>, vector<16xf32>,
        tpu.vector_store %arg12[%swap3A_187], %bitcast3A_184 {strides = array<i32>} : memref<2048xf32, #tpu.memory_space<vmem>>, vector<16xf32>,
        %mul3A_189 = arith.constant 4 : i32
        %mul3A_190 = arith.muli %scan3A_145, %mul3A_189 : i32
        %add3A_191 = arith.constant 2 : i32
        %add3A_192 = arith.addi %mul3A_190, %add3A_191 : i32
        %mul3A_193 = arith.constant 16 : i32
        %mul3A_194 = arith.muli %add3A_192, %mul3A_193 : i32
        %add3A_195 = arith.addi %mul3A_68, %mul3A_194 : i32
        %get3A_196 = arith.index_cast %add3A_195 : i32 to index
        %get3A_197 = tpu.vector_load %arg9[%get3A_196] {strides = array<i32>} : memref<8192xi32, #tpu.memory_space<vmem>>, vector<16xi32>,
        %add3A_198 = arith.constant 2048 : i32
        %add3A_199 = arith.addi %mul3A_68, %add3A_198 : i32
        %mul3A_200 = arith.constant 16 : i32
        %mul3A_201 = arith.muli %add3A_192, %mul3A_200 : i32
        %add3A_202 = arith.addi %add3A_199, %mul3A_201 : i32
        %get3A_203 = arith.index_cast %add3A_202 : i32 to index
        %get3A_204 = tpu.vector_load %arg9[%get3A_203] {strides = array<i32>} : memref<8192xi32, #tpu.memory_space<vmem>>, vector<16xi32>,
        %gather3A_205 = tpu.vector_load_idx %arg10[%get3A_197] : memref<100000xf32, #tpu.memory_space<vmem>>[vector<16xi32>], vector<16xf32>,
        %gather3A_206 = tpu.vector_load_idx %arg10[%get3A_204] : memref<100000xf32, #tpu.memory_space<vmem>>[vector<16xi32>], vector<16xf32>,
        %pack3A_207 = tpu.pack_subelements %gather3A_205, %gather3A_206 {pack_format = #tpu.pack_format<interleaved>, positions = array<i32: 0, 1>} : vector<16xf32>, vector<16xf32> -> vector<32xbf16>
        %bitcast3A_208 = vector.bitcast %pack3A_207 : vector<32xbf16> to vector<16xf32>
        %mul3A_209 = arith.constant 16 : i32
        %mul3A_210 = arith.muli %add3A_192, %mul3A_209 : i32
        %swap3A_211 = arith.index_cast %mul3A_210 : i32 to index
        %swap3A_212 = tpu.vector_load %arg12[%swap3A_211] {strides = array<i32>} : memref<2048xf32, #tpu.memory_space<vmem>>, vector<16xf32>,
        tpu.vector_store %arg12[%swap3A_211], %bitcast3A_208 {strides = array<i32>} : memref<2048xf32, #tpu.memory_space<vmem>>, vector<16xf32>,
        %mul3A_213 = arith.constant 4 : i32
        %mul3A_214 = arith.muli %scan3A_145, %mul3A_213 : i32
        %add3A_215 = arith.constant 3 : i32
        %add3A_216 = arith.addi %mul3A_214, %add3A_215 : i32
        %mul3A_217 = arith.constant 16 : i32
        %mul3A_218 = arith.muli %add3A_216, %mul3A_217 : i32
        %add3A_219 = arith.addi %mul3A_68, %mul3A_218 : i32
        %get3A_220 = arith.index_cast %add3A_219 : i32 to index
        %get3A_221 = tpu.vector_load %arg9[%get3A_220] {strides = array<i32>} : memref<8192xi32, #tpu.memory_space<vmem>>, vector<16xi32>,
        %add3A_222 = arith.constant 2048 : i32
        %add3A_223 = arith.addi %mul3A_68, %add3A_222 : i32
        %mul3A_224 = arith.constant 16 : i32
        %mul3A_225 = arith.muli %add3A_216, %mul3A_224 : i32
        %add3A_226 = arith.addi %add3A_223, %mul3A_225 : i32
        %get3A_227 = arith.index_cast %add3A_226 : i32 to index
        %get3A_228 = tpu.vector_load %arg9[%get3A_227] {strides = array<i32>} : memref<8192xi32, #tpu.memory_space<vmem>>, vector<16xi32>,
        %gather3A_229 = tpu.vector_load_idx %arg10[%get3A_221] : memref<100000xf32, #tpu.memory_space<vmem>>[vector<16xi32>], vector<16xf32>,
        %gather3A_230 = tpu.vector_load_idx %arg10[%get3A_228] : memref<100000xf32, #tpu.memory_space<vmem>>[vector<16xi32>], vector<16xf32>,
        %pack3A_231 = tpu.pack_subelements %gather3A_229, %gather3A_230 {pack_format = #tpu.pack_format<interleaved>, positions = array<i32: 0, 1>} : vector<16xf32>, vector<16xf32> -> vector<32xbf16>
        %bitcast3A_232 = vector.bitcast %pack3A_231 : vector<32xbf16> to vector<16xf32>
        %mul3A_233 = arith.constant 16 : i32
        %mul3A_234 = arith.muli %add3A_216, %mul3A_233 : i32
        %swap3A_235 = arith.index_cast %mul3A_234 : i32 to index
        %swap3A_236 = tpu.vector_load %arg12[%swap3A_235] {strides = array<i32>} : memref<2048xf32, #tpu.memory_space<vmem>>, vector<16xf32>,
        tpu.vector_store %arg12[%swap3A_235], %bitcast3A_232 {strides = array<i32>} : memref<2048xf32, #tpu.memory_space<vmem>>, vector<16xf32>,
      }
      %scan3A_118 = arith.constant 32 : i32
      %lt3A_119 = arith.constant 7 : i32
      %lt3A_120 = arith.cmpi slt, %add3A_105, %lt3A_119 : i32
      %convert_element_type3A_121 = arith.extui %lt3A_120 : i1 to i32
      %cond3A_122 = arith.constant 0 : i32
      %cond3A_123 = arith.cmpi ne, %convert_element_type3A_121, %cond3A_122 : i32
      scf.if %cond3A_123 {
        %add3A_145 = arith.constant 1 : i32
        %add3A_146 = arith.addi %add3A_106, %add3A_145 : i32
        %eq3A_147 = arith.constant 0 : i32
        %eq3A_148 = arith.cmpi eq, %select_n3A, %eq3A_147 : i32
        %convert_element_type3A_149 = arith.extui %eq3A_148 : i1 to i32
        %cond3A_150 = arith.constant 0 : i32
        %cond3A_151 = arith.cmpi ne, %convert_element_type3A_149, %cond3A_150 : i32
        scf.if %cond3A_151 {
          %dma_start3A_167 = arith.constant 0 : i32
          %dma_start3A_168 = tpu.memref_slice %arg4[%add3A_146, %dma_start3A_167] : memref<64x100000xf32, #tpu.memory_space<hbm>> -> memref<1x100000xf32, #tpu.memory_space<hbm>>
          %dma_start3A_169 = tpu.memref_squeeze %dma_start3A_168 : memref<1x100000xf32, #tpu.memory_space<hbm>> -> memref<100000xf32, #tpu.memory_space<hbm>>
          %dma_start3A_170 = arith.constant 0 : i32
          %dma_start3A_171 = tpu.memref_slice %arg4[%add3A_146, %dma_start3A_170] : memref<64x100000xf32, #tpu.memory_space<hbm>> -> memref<1x100000xf32, #tpu.memory_space<hbm>>
          %dma_start3A_172 = tpu.memref_squeeze %dma_start3A_171 : memref<1x100000xf32, #tpu.memory_space<hbm>> -> memref<100000xf32, #tpu.memory_space<hbm>>
          tpu.enqueue_dma source(%dma_start3A_172 : memref<100000xf32, #tpu.memory_space<hbm>>) target(%arg10 : memref<100000xf32, #tpu.memory_space<vmem>>) target_semaphore(%arg13 : memref<!tpu.dma_semaphore, #tpu.memory_space<semaphore_mem>>)
        } else {
        }
        %eq3A_152 = arith.constant 1 : i32
        %eq3A_153 = arith.cmpi eq, %select_n3A, %eq3A_152 : i32
        %convert_element_type3A_154 = arith.extui %eq3A_153 : i1 to i32
        %cond3A_155 = arith.constant 0 : i32
        %cond3A_156 = arith.cmpi ne, %convert_element_type3A_154, %cond3A_155 : i32
        scf.if %cond3A_156 {
          %dma_start3A_167 = arith.constant 0 : i32
          %dma_start3A_168 = tpu.memref_slice %arg5[%add3A_146, %dma_start3A_167] : memref<64x100000xf32, #tpu.memory_space<hbm>> -> memref<1x100000xf32, #tpu.memory_space<hbm>>
          %dma_start3A_169 = tpu.memref_squeeze %dma_start3A_168 : memref<1x100000xf32, #tpu.memory_space<hbm>> -> memref<100000xf32, #tpu.memory_space<hbm>>
          %dma_start3A_170 = arith.constant 0 : i32
          %dma_start3A_171 = tpu.memref_slice %arg5[%add3A_146, %dma_start3A_170] : memref<64x100000xf32, #tpu.memory_space<hbm>> -> memref<1x100000xf32, #tpu.memory_space<hbm>>
          %dma_start3A_172 = tpu.memref_squeeze %dma_start3A_171 : memref<1x100000xf32, #tpu.memory_space<hbm>> -> memref<100000xf32, #tpu.memory_space<hbm>>
          tpu.enqueue_dma source(%dma_start3A_172 : memref<100000xf32, #tpu.memory_space<hbm>>) target(%arg10 : memref<100000xf32, #tpu.memory_space<vmem>>) target_semaphore(%arg13 : memref<!tpu.dma_semaphore, #tpu.memory_space<semaphore_mem>>)
        } else {
        }
        %eq3A_157 = arith.constant 2 : i32
        %eq3A_158 = arith.cmpi eq, %select_n3A, %eq3A_157 : i32
        %convert_element_type3A_159 = arith.extui %eq3A_158 : i1 to i32
        %cond3A_160 = arith.constant 0 : i32
        %cond3A_161 = arith.cmpi ne, %convert_element_type3A_159, %cond3A_160 : i32
        scf.if %cond3A_161 {
          %dma_start3A_167 = arith.constant 0 : i32
          %dma_start3A_168 = tpu.memref_slice %arg6[%add3A_146, %dma_start3A_167] : memref<64x100000xf32, #tpu.memory_space<hbm>> -> memref<1x100000xf32, #tpu.memory_space<hbm>>
          %dma_start3A_169 = tpu.memref_squeeze %dma_start3A_168 : memref<1x100000xf32, #tpu.memory_space<hbm>> -> memref<100000xf32, #tpu.memory_space<hbm>>
          %dma_start3A_170 = arith.constant 0 : i32
          %dma_start3A_171 = tpu.memref_slice %arg6[%add3A_146, %dma_start3A_170] : memref<64x100000xf32, #tpu.memory_space<hbm>> -> memref<1x100000xf32, #tpu.memory_space<hbm>>
          %dma_start3A_172 = tpu.memref_squeeze %dma_start3A_171 : memref<1x100000xf32, #tpu.memory_space<hbm>> -> memref<100000xf32, #tpu.memory_space<hbm>>
          tpu.enqueue_dma source(%dma_start3A_172 : memref<100000xf32, #tpu.memory_space<hbm>>) target(%arg10 : memref<100000xf32, #tpu.memory_space<vmem>>) target_semaphore(%arg13 : memref<!tpu.dma_semaphore, #tpu.memory_space<semaphore_mem>>)
        } else {
        }
        %eq3A_162 = arith.constant 3 : i32
        %eq3A_163 = arith.cmpi eq, %select_n3A, %eq3A_162 : i32
        %convert_element_type3A_164 = arith.extui %eq3A_163 : i1 to i32
        %cond3A_165 = arith.constant 0 : i32
        %cond3A_166 = arith.cmpi ne, %convert_element_type3A_164, %cond3A_165 : i32
        scf.if %cond3A_166 {
          %dma_start3A_167 = arith.constant 0 : i32
          %dma_start3A_168 = tpu.memref_slice %arg7[%add3A_146, %dma_start3A_167] : memref<64x100000xf32, #tpu.memory_space<hbm>> -> memref<1x100000xf32, #tpu.memory_space<hbm>>
          %dma_start3A_169 = tpu.memref_squeeze %dma_start3A_168 : memref<1x100000xf32, #tpu.memory_space<hbm>> -> memref<100000xf32, #tpu.memory_space<hbm>>
          %dma_start3A_170 = arith.constant 0 : i32
          %dma_start3A_171 = tpu.memref_slice %arg7[%add3A_146, %dma_start3A_170] : memref<64x100000xf32, #tpu.memory_space<hbm>> -> memref<1x100000xf32, #tpu.memory_space<hbm>>
          %dma_start3A_172 = tpu.memref_squeeze %dma_start3A_171 : memref<1x100000xf32, #tpu.memory_space<hbm>> -> memref<100000xf32, #tpu.memory_space<hbm>>
          tpu.enqueue_dma source(%dma_start3A_172 : memref<100000xf32, #tpu.memory_space<hbm>>) target(%arg10 : memref<100000xf32, #tpu.memory_space<vmem>>) target_semaphore(%arg13 : memref<!tpu.dma_semaphore, #tpu.memory_space<semaphore_mem>>)
        } else {
        }
      } else {
      }
      %mul3A_124 = arith.constant 8 : i32
      %mul3A_125 = arith.muli %add3A, %mul3A_124 : i32
      %add3A_126 = arith.addi %mul3A_125, %add3A_105 : i32
      %dma_start3A_127 = arith.constant 0 : i32
      %dma_start3A_128 = tpu.memref_slice %arg8[%add3A_126, %dma_start3A_127] : memref<256x2048xf32, #tpu.memory_space<hbm>> -> memref<1x2048xf32, #tpu.memory_space<hbm>>
      %dma_start3A_129 = tpu.memref_squeeze %dma_start3A_128 : memref<1x2048xf32, #tpu.memory_space<hbm>> -> memref<2048xf32, #tpu.memory_space<hbm>>
      %dma_start3A_130 = arith.constant 0 : i32
      %dma_start3A_131 = tpu.memref_slice %arg8[%add3A_126, %dma_start3A_130] : memref<256x2048xf32, #tpu.memory_space<hbm>> -> memref<1x2048xf32, #tpu.memory_space<hbm>>
      %dma_start3A_132 = tpu.memref_squeeze %dma_start3A_131 : memref<1x2048xf32, #tpu.memory_space<hbm>> -> memref<2048xf32, #tpu.memory_space<hbm>>
      tpu.enqueue_dma source(%arg12 : memref<2048xf32, #tpu.memory_space<vmem>>) target(%dma_start3A_132 : memref<2048xf32, #tpu.memory_space<hbm>>) target_semaphore(%arg15 : memref<!tpu.dma_semaphore, #tpu.memory_space<semaphore_mem>>)
      %dma_wait3A_133 = arith.constant 0 : i32
      %dma_wait3A_134 = tpu.memref_slice %arg8[%add3A_96, %dma_wait3A_133] : memref<256x2048xf32, #tpu.memory_space<hbm>> -> memref<1x2048xf32, #tpu.memory_space<hbm>>
      %dma_wait3A_135 = tpu.memref_squeeze %dma_wait3A_134 : memref<1x2048xf32, #tpu.memory_space<hbm>> -> memref<2048xf32, #tpu.memory_space<hbm>>
      %dma_wait3A_136 = arith.constant 0 : i32
      %dma_wait3A_137 = tpu.memref_slice %arg8[%add3A_96, %dma_wait3A_136] : memref<256x2048xf32, #tpu.memory_space<hbm>> -> memref<1x2048xf32, #tpu.memory_space<hbm>>
      %dma_wait3A_138 = tpu.memref_squeeze %dma_wait3A_137 : memref<1x2048xf32, #tpu.memory_space<hbm>> -> memref<2048xf32, #tpu.memory_space<hbm>>
      tpu.wait_dma2 semaphore(%arg14 : memref<!tpu.dma_semaphore, #tpu.memory_space<semaphore_mem>>) src(%arg11 : memref<2048xf32, #tpu.memory_space<vmem>>) dst(%dma_wait3A_138 : memref<2048xf32, #tpu.memory_space<hbm>>)
      %dma_wait3A_139 = arith.constant 0 : i32
      %dma_wait3A_140 = tpu.memref_slice %arg8[%add3A_126, %dma_wait3A_139] : memref<256x2048xf32, #tpu.memory_space<hbm>> -> memref<1x2048xf32, #tpu.memory_space<hbm>>
      %dma_wait3A_141 = tpu.memref_squeeze %dma_wait3A_140 : memref<1x2048xf32, #tpu.memory_space<hbm>> -> memref<2048xf32, #tpu.memory_space<hbm>>
      %dma_wait3A_142 = arith.constant 0 : i32
      %dma_wait3A_143 = tpu.memref_slice %arg8[%add3A_126, %dma_wait3A_142] : memref<256x2048xf32, #tpu.memory_space<hbm>> -> memref<1x2048xf32, #tpu.memory_space<hbm>>
      %dma_wait3A_144 = tpu.memref_squeeze %dma_wait3A_143 : memref<1x2048xf32, #tpu.memory_space<hbm>> -> memref<2048xf32, #tpu.memory_space<hbm>>
      tpu.wait_dma2 semaphore(%arg15 : memref<!tpu.dma_semaphore, #tpu.memory_space<semaphore_mem>>) src(%arg12 : memref<2048xf32, #tpu.memory_space<vmem>>) dst(%dma_wait3A_144 : memref<2048xf32, #tpu.memory_space<hbm>>)
    }
    %scan3A_73 = arith.constant 4 : i32
    return
  }
}

module attributes {stable_mosaic.version = 14 : i64} {
  func.func @_tc_body(%arg0: memref<256x2048xf32, #tpu.memory_space<vmem>>, %arg1: memref<128x128xbf16, #tpu.memory_space<vmem>>, %arg2: memref<128x128xbf16, #tpu.memory_space<vmem>>, %arg3: memref<128x1xf32, #tpu.memory_space<vmem>>, %arg4: memref<64x128xf32, #tpu.memory_space<vmem>>, %arg5: memref<64x1xf32, #tpu.memory_space<vmem>>, %arg6: memref<2x128xf32, #tpu.memory_space<vmem>>, %arg7: memref<2x64xf32, #tpu.memory_space<vmem>>, %arg8: memref<2x2048xf32, #tpu.memory_space<vmem>>) attributes {dimension_semantics = [], scalar_prefetch = 0 : i64, scratch_operands = 0 : i64, tpu.core_type = #tpu.core_type<tc>} {
    %get3A = arith.constant 0 : index
    %get3A_0 = arith.constant 0 : index
    %get3A_1 = vector.load %arg0[%get3A, %get3A_0] : memref<256x2048xf32, #tpu.memory_space<vmem>>, vector<256x2048xf32>
    %bitcast3A = tpu.bitcast %get3A_1 : vector<256x2048xf32> -> vector<512x2048xbf16>
    %slice3A = vector.extract_strided_slice %bitcast3A {offsets = [0, 0], sizes = [128, 2048], strides = [1, 1]} : vector<512x2048xbf16> to vector<128x2048xbf16>
    %convert_element_type3A = arith.extf %slice3A : vector<128x2048xbf16> to vector<128x2048xf32>
    %slice3A_2 = vector.extract_strided_slice %bitcast3A {offsets = [128, 0], sizes = [128, 2048], strides = [1, 1]} : vector<512x2048xbf16> to vector<128x2048xbf16>
    %convert_element_type3A_3 = arith.extf %slice3A_2 : vector<128x2048xbf16> to vector<128x2048xf32>
    %mul3A = arith.mulf %convert_element_type3A, %convert_element_type3A_3 : vector<128x2048xf32>
    %get3A_4 = arith.constant 0 : index
    %get3A_5 = arith.constant 0 : index
    %get3A_6 = vector.load %arg1[%get3A_4, %get3A_5] : memref<128x128xbf16, #tpu.memory_space<vmem>>, vector<128x128xbf16>
    %slice3A_7 = vector.extract_strided_slice %bitcast3A {offsets = [256, 0], sizes = [128, 2048], strides = [1, 1]} : vector<512x2048xbf16> to vector<128x2048xbf16>
    %dot_general3A = arith.constant dense<0.000000e+00> : vector<128x2048xf32>
    %dot_general3A_8 = tpu.matmul %get3A_6, %slice3A_7, %dot_general3A {dimension_numbers = #tpu.dot_dimension_numbers<[1], [0], [0], [1], [0, 0, 1, 1], [], []>, transpose_lhs_hint = false} : vector<128x128xbf16>, vector<128x2048xbf16>, vector<128x2048xf32> -> vector<128x2048xf32>
    %get3A_9 = arith.constant 0 : index
    %get3A_10 = arith.constant 0 : index
    %get3A_11 = vector.load %arg2[%get3A_9, %get3A_10] : memref<128x128xbf16, #tpu.memory_space<vmem>>, vector<128x128xbf16>
    %slice3A_12 = vector.extract_strided_slice %bitcast3A {offsets = [384, 0], sizes = [128, 2048], strides = [1, 1]} : vector<512x2048xbf16> to vector<128x2048xbf16>
    %dot_general3A_13 = arith.constant dense<0.000000e+00> : vector<128x2048xf32>
    %dot_general3A_14 = tpu.matmul %get3A_11, %slice3A_12, %dot_general3A_13 {dimension_numbers = #tpu.dot_dimension_numbers<[1], [0], [0], [1], [0, 0, 1, 1], [], []>, transpose_lhs_hint = false} : vector<128x128xbf16>, vector<128x2048xbf16>, vector<128x2048xf32> -> vector<128x2048xf32>
    %add3A = arith.addf %dot_general3A_8, %dot_general3A_14 : vector<128x2048xf32>
    %get3A_15 = arith.constant 0 : index
    %get3A_16 = arith.constant 0 : index
    %get3A_17 = vector.load %arg3[%get3A_15, %get3A_16] : memref<128x1xf32, #tpu.memory_space<vmem>>, vector<128x1xf32>
    %add3A_18 = vector.broadcast %get3A_17 : vector<128x1xf32> to vector<128x2048xf32>
    %add3A_19 = arith.addf %add3A, %add3A_18 : vector<128x2048xf32>
    %max3A = arith.constant 0.000000e+00 : f32
    %max3A_20 = vector.broadcast %max3A : f32 to vector<128x2048xf32>
    %max3A_21 = arith.maximumf %add3A_19, %max3A_20 : vector<128x2048xf32>
    %get3A_22 = arith.constant 0 : index
    %get3A_23 = arith.constant 0 : index
    %get3A_24 = vector.load %arg4[%get3A_22, %get3A_23] : memref<64x128xf32, #tpu.memory_space<vmem>>, vector<64x128xf32>
    %dot_general3A_25 = arith.constant dense<0.000000e+00> : vector<64x2048xf32>
    %dot_general3A_26 = tpu.matmul %get3A_24, %max3A_21, %dot_general3A_25 {dimension_numbers = #tpu.dot_dimension_numbers<[1], [0], [0], [1], [0, 0, 1, 1], [], []>, transpose_lhs_hint = false} : vector<64x128xf32>, vector<128x2048xf32>, vector<64x2048xf32> -> vector<64x2048xf32>
    %get3A_27 = arith.constant 0 : index
    %get3A_28 = arith.constant 0 : index
    %get3A_29 = vector.load %arg5[%get3A_27, %get3A_28] : memref<64x1xf32, #tpu.memory_space<vmem>>, vector<64x1xf32>
    %add3A_30 = vector.broadcast %get3A_29 : vector<64x1xf32> to vector<64x2048xf32>
    %add3A_31 = arith.addf %dot_general3A_26, %add3A_30 : vector<64x2048xf32>
    %max3A_32 = arith.constant 0.000000e+00 : f32
    %max3A_33 = vector.broadcast %max3A_32 : f32 to vector<64x2048xf32>
    %max3A_34 = arith.maximumf %add3A_31, %max3A_33 : vector<64x2048xf32>
    %get3A_35 = arith.constant 0 : index
    %get3A_36 = arith.constant 0 : index
    %get3A_37 = vector.load %arg6[%get3A_35, %get3A_36] : memref<2x128xf32, #tpu.memory_space<vmem>>, vector<2x128xf32>
    %dot_general3A_38 = arith.constant dense<0.000000e+00> : vector<2x2048xf32>
    %dot_general3A_39 = tpu.matmul %get3A_37, %mul3A, %dot_general3A_38 {dimension_numbers = #tpu.dot_dimension_numbers<[1], [0], [0], [1], [0, 0, 1, 1], [], []>, transpose_lhs_hint = false} : vector<2x128xf32>, vector<128x2048xf32>, vector<2x2048xf32> -> vector<2x2048xf32>
    %get3A_40 = arith.constant 0 : index
    %get3A_41 = arith.constant 0 : index
    %get3A_42 = vector.load %arg7[%get3A_40, %get3A_41] : memref<2x64xf32, #tpu.memory_space<vmem>>, vector<2x64xf32>
    %dot_general3A_43 = arith.constant dense<0.000000e+00> : vector<2x2048xf32>
    %dot_general3A_44 = tpu.matmul %get3A_42, %max3A_34, %dot_general3A_43 {dimension_numbers = #tpu.dot_dimension_numbers<[1], [0], [0], [1], [0, 0, 1, 1], [], []>, transpose_lhs_hint = false} : vector<2x64xf32>, vector<64x2048xf32>, vector<2x2048xf32> -> vector<2x2048xf32>
    %add3A_45 = arith.addf %dot_general3A_39, %dot_general3A_44 : vector<2x2048xf32>
    %swap3A = arith.constant 0 : index
    %swap3A_46 = arith.constant 0 : index
    %swap3A_47 = vector.load %arg8[%swap3A, %swap3A_46] : memref<2x2048xf32, #tpu.memory_space<vmem>>, vector<2x2048xf32>
    tpu.vector_store %arg8[%swap3A, %swap3A_46], %add3A_45 {strides = array<i32>} : memref<2x2048xf32, #tpu.memory_space<vmem>>, vector<2x2048xf32>,
    return
  }
}

</mosaic_0001>

<sc_bundles>
// kernel: kernel.4.cloned.1.call-start
scs
__scs_entry_jumppad:
0x0: {  	(pc) =	sbr.rel $0x88, $3  }
0x1: {  	(tag) =	ssettag $0x0;
	lr =	simm.s32 $0x1  }
0x2: {  	[smem:$0x3F96] =	sst lr;
	_ =	strace $0xD0000000  }
0x3: {  	_ = 	snop  }
0x4: {  	_ = 	snop  }
0x5: {  	_ = 	snop  }
0x6: {  	_ = 	snop  }
0x7: {  	_ = 	snop  }
__scs_overlays_trampoline_lowered:
0x8: {  	[smem:$0x3FA5] =	sst s0  }
0x9: {  	[smem:$0x3FA6] =	sst s1  }
0xa: {  	[smem:$0x3FA7] =	sst s2  }
0xb: {  	[smem:$0x3FA8] =	sst s3  }
0xc: {  	[smem:$0x3FA9] =	sst s4  }
0xd: {  	[smem:$0x3FAA] =	sst s5  }
0xe: {  	[smem:$0x3FAB] =	sst s6  }
0xf: {  	[smem:$0x3FAC] =	sst s7  }
0x10: {  	[smem:$0x3FAD] =	sst s8  }
0x11: {  	[smem:$0x3FAE] =	sst s9;
	s0 =	simm.s32 @!p0 $0x0  }
0x12: {  	s1 =	sld [smem:$0x3F94];
	s0 =	simm.s32 @p0 $0x1  }
0x13: {  	[smem:$0x3FAF] =	sst s0;
	s0 =	simm.s32 @!p1 $0x0  }
0x14: {  	s2 =	sld [smem:$0x3F93];
	s0 =	simm.s32 @p1 $0x1  }
0x15: {  	[smem:$0x3FB0] =	sst s0;
	s0 =	simm.s32 @!p2 $0x0  }
0x16: {  	s3 =	sld [smem:$0x3FDB];
	s0 =	simm.s32 @p2 $0x1  }
0x17: {  	s4 =	simm.s32 $0x1BF5;
	[smem:$0x3FB2] =	sst s0  }
0x18: {  	s0 =	sld [smem:$0x3F95];
	_ =	swait.ge [sflag:s4], $0x0  }
0x19: {  	s7 =	sld [smem:$0x3F96]  }
0x1a: {  	s8 =	sadd.s32 $0xFFFFE003, lr  }
0x1b: {  	s9 =	sadd.s32 $0xFFFFFEF7, lr;
	s5 =	simm.s32 $0xFFFFFFFF;
	p2 =	slt.u32 s8, $0xFFFFF086  }
0x1c: {  	p1 =	slt.u32 s9, $0xF7A;
	s5 =	simm.s32 @!p2 $0x0  }
0x1d: {  	s5 =	simm.s32 @p1 $0x1;
	p0 =	seq.s32 s7, s2  }
0x1e: {  	s7 =	smul.u32 @!p0 $0xF7A, s2;
	p2 =	seq.s32 @!p0 s5, $0x0  }
0x1f: {  	s9 =	smul.u32 $0xF7A, s1;
	s8 =	simm.s32 @!p0 $0x1BF5;
	p2 =	por !p2, p0  }
0x20: {  	[sflag:s8] =	ssyncset.s32 @!p0 $0xFFFFF086;
	s6 =	sadd.s32 @!p0 s3, s7;
	s7 =	simm.s32 @!p0 $0x108  }
0x21: {  	s3 =	sadd.s32 s3, s9;
	s6 =	sadd.s32 @!p0 $0x88, s6;
	s7 =	simm.s32 @p2 $0x1082  }
0x22: {  	[simem:s7], [sflag:s8] =	dma.local @!p0 [hbm:s6], $0xF7A  }
0x23: {  	s9 =	sor.u32 $0xD0000000, s2;
	s6 =	simm.s32 $0x108;
	_ =	swait.ge @!p0 [sflag:s8], $0x0  }
0x24: {  	s3 =	sadd.s32 $0x88, s3;
	s6 =	simm.s32 @!p1 $0x1082;
	[sflag:s4] =	ssyncset.s32 $0xFFFFF086  }
0x25: {  	[simem:s6], [sflag:s4] =	dma.local [hbm:s3], $0xF7A  }
0x26: {  	[smem:$0x3F96] =	sst s1;
	(tag) =	ssettag s2;
	_ =	strace s9  }
0x27: {  	s1 =	sld [smem:$0x3FA6]  }
0x28: {  	s2 =	sld [smem:$0x3FA7]  }
0x29: {  	s4 =	sld [smem:$0x3FA9]  }
0x2a: {  	p0 =	seq.s32 s5, $0x0;
	s5 =	sld [smem:$0x3FAA]  }
0x2b: {  	s6 =	sld [smem:$0x3FAB]  }
0x2c: {  	s7 =	sld [smem:$0x3FAC]  }
0x2d: {  	s3 =	simm.s32 $0x108;
	s8 =	sld [smem:$0x3FAD]  }
0x2e: {  	s3 =	simm.s32 @!p0 $0x1082;
	s9 =	sld [smem:$0x3FAE]  }
0x2f: {  	lr =	sadd.s32 s0, s3;
	s0 =	sld [smem:$0x3FA5]  }
0x30: {  	s3 =	sld [smem:$0x3FA8]  }
0x31: {  	[smem:$0x3FB1] =	sst s10  }
0x32: {  	s10 =	sld [smem:$0x3FAF];
	_ =	sdelay $0x3  }
0x33: {  	p0 =	seq.s32 s10, $0x1;
	s10 =	sld [smem:$0x3FB1];
	_ =	sdelay $0x3  }
0x34: {  	[smem:$0x3FB1] =	sst s10  }
0x35: {  	s10 =	sld [smem:$0x3FB0];
	_ =	sdelay $0x3  }
0x36: {  	p1 =	seq.s32 s10, $0x1;
	s10 =	sld [smem:$0x3FB1];
	_ =	sdelay $0x3  }
0x37: {  	[smem:$0x3FB1] =	sst s10  }
0x38: {  	s10 =	sld [smem:$0x3FB2]  }
0x39: {  	_ = 	snop;
	(pc) =	sbr.ind lr, $3  }
0x3a: {  	_ = 	snop  }
0x3b: {  	_ = 	snop  }
0x3c: {  	p2 =	seq.s32 s10, $0x1;
	s10 =	sld [smem:$0x3FB1]  }
0x3d: {  	_ =	shalt  }
0x3e: {  	_ =	shalt  }
0x3f: {  	_ =	shalt  }
0x40: {  	_ =	shalt  }
0x41: {  	_ =	shalt  }
0x42: {  	_ =	shalt  }
0x43: {  	_ =	shalt  }
0x44: {  	_ =	shalt  }
0x45: {  	_ =	shalt  }
0x46: {  	_ =	shalt  }
0x47: {  	_ =	shalt  }
0x48: {  	_ =	shalt  }
0x49: {  	_ =	shalt  }
0x4a: {  	_ =	shalt  }
0x4b: {  	_ =	shalt  }
0x4c: {  	_ =	shalt  }
0x4d: {  	_ =	shalt  }
0x4e: {  	_ =	shalt  }
0x4f: {  	_ =	shalt  }
0x50: {  	_ =	shalt  }
0x51: {  	_ =	shalt  }
0x52: {  	_ =	shalt  }
0x53: {  	_ =	shalt  }
0x54: {  	_ =	shalt  }
0x55: {  	_ =	shalt  }
0x56: {  	_ =	shalt  }
0x57: {  	_ =	shalt  }
0x58: {  	_ =	shalt  }
0x59: {  	_ =	shalt  }
0x5a: {  	_ =	shalt  }
0x5b: {  	_ =	shalt  }
0x5c: {  	_ =	shalt  }
0x5d: {  	_ =	shalt  }
0x5e: {  	_ =	shalt  }
0x5f: {  	_ =	shalt  }
0x60: {  	_ =	shalt  }
0x61: {  	_ =	shalt  }
0x62: {  	_ =	shalt  }
0x63: {  	_ =	shalt  }
0x64: {  	_ =	shalt  }
0x65: {  	_ =	shalt  }
0x66: {  	_ =	shalt  }
0x67: {  	_ =	shalt  }
0x68: {  	_ =	shalt  }
0x69: {  	_ =	shalt  }
0x6a: {  	_ =	shalt  }
0x6b: {  	_ =	shalt  }
0x6c: {  	_ =	shalt  }
0x6d: {  	_ =	shalt  }
0x6e: {  	_ =	shalt  }
0x6f: {  	_ =	shalt  }
0x70: {  	_ =	shalt  }
0x71: {  	_ =	shalt  }
0x72: {  	_ =	shalt  }
0x73: {  	_ =	shalt  }
0x74: {  	_ =	shalt  }
0x75: {  	_ =	shalt  }
0x76: {  	_ =	shalt  }
0x77: {  	_ =	shalt  }
0x78: {  	_ =	shalt  }
0x79: {  	_ =	shalt  }
0x7a: {  	_ =	shalt  }
0x7b: {  	_ =	shalt  }
0x7c: {  	_ =	shalt  }
0x7d: {  	_ =	shalt  }
0x7e: {  	_ =	shalt  }
0x7f: {  	_ =	shalt  }
0x80: {  	_ =	shalt  }
0x81: {  	_ =	shalt  }
0x82: {  	_ =	shalt  }
0x83: {  	_ =	shalt  }
0x84: {  	_ =	shalt  }
0x85: {  	_ =	shalt  }
0x86: {  	_ =	shalt  }
0x87: {  	_ =	shalt  }
.Lfunc_end0:
.L_simem_size_0:
called_computation_lowered:
.L_overlay_start_0:
0x88: {  	s2 =	sld [smem:$0x3FD9]  }
0x89: {  	s3 =	sld [smem:$0x3FFE];
	_ =	sdelay $0x1  }
0x8a: {  	s1 =	srdreg.scid  }
0x8b: {  	s0 =	sand.u32 $0x1, s1  }
0x8c: {  	s17 =	sshll.u32 s0, $0xA;
	s2 =	sadd.s32 s3, s2  }
0x8d: {  	s2 =	sadd.s32 s2, s17  }
0x8e: {  	[smem:$0x3FBD] =	sst s2  }
0x8f: {  	_ = 	snop  }
0x90: {  	s2 =	sld [smem:$0x3FC9]  }
0x91: {  	s18 =	sld [smem:$0x3FC8]  }
0x92: {  	s4 =	sld [smem:$0x3FC7]  }
0x93: {  	s5 =	sld [smem:$0x3FC6]  }
0x94: {  	s6 =	sld [smem:$0x3FC5]  }
0x95: {  	s7 =	sld [smem:$0x3FC4];
	(tm) =	ssettm $0x1  }
0x96: {  	s8 =	sld [smem:$0x3FFB];
	_ =	sdelay $0x3  }
0x97: {  	_ =	strace s8  }
0x98: {  	s8 =	sld [smem:$0x3FFC];
	_ =	sdelay $0x3  }
0x99: {  	_ =	strace s8  }
0x9a: {  	s8 =	sld [smem:$0x3FFD];
	_ =	sdelay $0x3  }
0x9b: {  	_ =	strace s8  }
0x9c: {  	_ =	strace $0x8FFFFFFF  }
0x9d: {  	s19 =	sld [smem:$0x3FDB];
	_ =	sdelay $0x1  }
0x9e: {  	s9 =	simm.s32 $_scs_section_size  }
0x9f: {  	s10 =	simm.s32 $_size__tile_overlayer_lowered;
	s11 =	simm.s32 $_tile_overlayer_lowered  }
0xa0: {  	s22 =	simm.s32 $0x1BFF;
	s21 =	sshll.u32 s11, $0x1;
	s8 =	sadd.s32 s9, s19  }
0xa1: {  	s12 =	simm.s32 $0x0;
	s20 =	sshll.u32 s10, $0x1;
	s10 =	sadd.s32 s21, s8  }
0xa2: {  	[timem:s12], [sflag:s22] =	dma.local [hbm:s10], s20  }
0xa3: {  	_ =	swait.ge [sflag:s22], s20  }
0xa4: {  	s9 =	ssub.s32 $0x0, s20;
	[sflag:s22] =	ssyncset.done $0x0  }
0xa5: {  	[sflag:s22] =	ssyncadd.s32 s9;
	_ =	sdelay $0x1  }
0xa6: {  	s23 =	simm.s32 $0x1B8B  }
0xa7: {  	_ =	swait.ge [sflag:s23], $0x1  }
0xa8: {  	[sflag:s23] =	ssyncset.done $0x0  }
0xa9: {  	s25 =	simm.s32 $0x1B8E;
	s24 =	sld [smem:$0x3FFE];
	[sflag:s23] =	ssyncadd.s32 $0xFFFFFFFF  }
0xaa: {  	s26 =	simm.s32 $execute0_lowered;
	[smem:$0x3FD2] =	sst s25  }
0xab: {  	s10 =	sshll.u32 s26, $0x1;
	_ =	strace $0x80000046;
	[dreg:$0x1] =	wrdreg $0xFFFFFFFF  }
0xac: {  	s28 =	simm.s32 $_size_execute0_lowered;
	s8 =	sadd.s32 s8, s10;
	[dreg:$0x0] =	wrdreg $0x0  }
0xad: {  	s10 =	sshll.u32 s28, $0x1;
	[dreg:$0x2] =	wrdreg s8  }
0xae: {  	[dreg:$0x3] =	wrdreg s10  }
0xaf: {  	[dreg:$0x4] =	wrdreg $0xC0  }
0xb0: {  	_ =	task [dreg:s12], $0x5FFFF  }
0xb1: {  	[dreg:$0x1] =	wrdreg $0xFFFFFFFF  }
0xb2: {  	[dreg:$0x0] =	wrdreg $0x60  }
0xb3: {  	[dreg:$0x2] =	wrdreg s2  }
0xb4: {  	[dreg:$0x3] =	wrdreg s18  }
0xb5: {  	[dreg:$0x4] =	wrdreg s4  }
0xb6: {  	[dreg:$0x5] =	wrdreg s5  }
0xb7: {  	[dreg:$0x6] =	wrdreg s6  }
0xb8: {  	[dreg:$0x7] =	wrdreg s7  }
0xb9: {  	[dreg:$0x8] =	wrdreg s24  }
0xba: {  	[dreg:$0x9] =	wrdreg $0x9  }
0xbb: {  	_ =	task.clear_ibuf [dreg:s12], $0xAFFFF;
	_ =	strace $0x90000046  }
0xbc: {  	s29 =	simm.s32 $0x9;
	_ =	strace $0x80000048  }
0xbd: {  	_ =	swait.ge [sflag:s29], $0x1  }
0xbe: {  	[sflag:s29] =	ssyncadd.s32 $0xFFFFFFFF  }
0xbf: {  	_ =	strace $0x90000048  }
0xc0: {  	_ =	sfence  }
0xc1: {  	s30 =	sld [smem:$0x0];
	_ =	sdelay $0x2  }
0xc2: {  	s31 =	sshll.u32 s1, $0xD;
	s1 =	sshrl.u32 s1, $0x2  }
0xc3: {  	s3 =	sand.u32 $0x4000, s31;
	s1 =	sadd.s32 s1, s30  }
0xc4: {  	s0 =	sor.u32 s3, s0;
	s1 =	sshll.u32 s1, $0x11  }
0xc5: {  	s0 =	sor.u32 s1, s0  }
0xc6: {  	s0 =	sadd.s32 $0x8F2B, s0  }
0xc7: {  	[sflag:s0] =	ssyncadd.remote.s32 $0x1  }
0xc8: {  	_ =	sfence.sel $0xFFFF  }
0xc9: {  	[dreg:$0x0] =	wrdreg $0xFFFFFFFF;
	(pc) =	sbr.abs _section_cstart, $3  }
0xca: {  	[dreg:$0x1] =	wrdreg $0xFFFFFFFF  }
0xcb: {  	_ =	task.clear_ibuf [dreg:s12], $0x2FFFF;
	_ =	strace $0x9FFFFFFF  }
0xcc: {  	(tm) =	ssettm $0x7FFFFFFF  }
0xcd: {  	_ =	shalt  }
tec
execute0_lowered:
.L_overlay_start_1:
0x0: {  	(tag) =	ssettag $0x1  }
0x1: {  	s2 =	rddreg [dreg:$0x2]  }
0x2: {  	s4 =	rddreg [dreg:$0x3]  }
0x3: {  	s5 =	rddreg [dreg:$0x4]  }
0x4: {  	s7 =	rddreg [dreg:$0x5];
	s0 =	srdreg.scid  }
0x5: {  	s1 =	stileid.u32;
	s3 =	rddreg [dreg:$0x6];
	s8 =	simm.s32 $0x0  }
0x6: {  	s20 =	simm.s32 $0x80;
	s21 =	simm.s32 $0x400;
	s22 =	simm.s32 $0x2000  }
0x7: {  	s23 =	simm.s32 $0x4;
	s25 =	simm.s32 $0x1;
	s26 =	simm.s32 $0x1A700  }
0x8: {  	s28 =	simm.s32 $0x1AF00;
	s29 =	simm.s32 $0x2;
	s30 =	simm.s32 $0x3  }
0x9: {  	s0 =	sand.u32 $0x1, s0;
	s6 =	sshll.u32 s1, $0x1;
	[smem:$0x7FF] =	sst s8  }
0xa: {  	s6 =	sor.u32 s0, s6;
	_ =	strace $0x80000047;
	s0 =	ssub.s32 $0x2, s0  }
0xb: {  	s9 =	sshll.u32 s6, $0xB;
	s15 =	sand.u32 $0x7, s6;
	s12 =	sshrl.u32 s0, $0x1  }
0xc: {  	s3 =	sadd.s32 s9, s3;
	s9 =	sshrl.u32 s1, $0x2;
	s31 =	smul.u32 $0x18700, s15  }
0xd: {  	s0 =	ssub.s32 s0, s12;
	s12 =	smul.u32 $0xC3800, s6;
	s13 =	sshll.u32 s15, $0x3  }
0xe: {  	s15 =	smul.u32 $0xC3800, s15;
	s11 =	sshll.u32 s9, $0xC;
	s16 =	sadd.s32 $0x1400, s3  }
0xf: {  	s17 =	smax.u32 s0, $0x1;
	p0 =	seq.s32 s9, $0x0;
	p1 =	sgt.s32 s9, $0x1  }
0x10: {  	s0 =	smov.u32 s4;
	[dreg:$0x8] =	wrdreg s31;
	s1 =	simm.s32 @!p1 $0x0  }
0x11: {  	s0 =	smov.u32 @p0 s2;
	s1 =	simm.s32 @p1 $0x1;
	p1 =	seq.s32 s9, $0x3  }
0x12: {  	s19 =	sor.u32 $0x1, s13;
	[dreg:$0x9] =	wrdreg s0;
	s0 =	simm.s32 @!p1 $0x0  }
0x13: {  	s14 =	sand.u32 $0x1000, s11;
	[smem:$0x7FC] =	sst s1;
	s0 =	simm.s32 @p1 $0x1  }
0x14: {  	p2 =	sne.s32 s9, $0x0;
	s14 =	sor.u32 $0x800, s14;
	[smem:$0x7FD] =	sst s0  }
.LBB2_1:
0x15: {  	s0 =	sld [smem:$0x7FC];
	_ =	sdelay $0x2  }
0x16: {  	p1 =	seq.s32 s0, $0x1  }
.Ltmp0:
0x17: {  	_ = 	snop;
	(pc) =	sbr.rel @p1 .LBB2_3-.Ltmp0, $1  }
0x18: {  	_ =	sdelay $0x3  }
.Ltmp1:
0x19: {  	(pc) =	sbr.rel .LBB2_6-.Ltmp1, $4  }
0x1a: {  	_ = 	snop  }
0x1b: {  	p3 =	por @!p0 $0x1, $0x1;
	p1 =	por @!p0 $0x0, $0x0;
	p4 =	por $0x0, $0x0  }
0x1c: {  	p5 =	por $0x0, $0x0;
	p6 =	por $0x0, $0x0;
	s0 =	rddreg [dreg:$0x9]  }
0x1d: {  	p4 =	por @!p0 p1, p1;
	p5 =	por @!p0 p3, p3;
	p6 =	por @!p0 p1, p1  }
.LBB2_3:
0x1e: {  	s0 =	sld [smem:$0x7FD];
	_ =	sdelay $0x2  }
0x1f: {  	p1 =	seq.s32 s0, $0x1  }
.Ltmp2:
0x20: {  	_ = 	snop;
	(pc) =	sbr.rel @!p1 .LBB2_4-.Ltmp2, $1  }
0x21: {  	_ =	sdelay $0x3  }
.Ltmp3:
0x22: {  	(pc) =	sbr.rel .LBB2_6-.Ltmp3, $3  }
0x23: {  	_ =	sdelay $0x1  }
0x24: {  	p5 =	por $0x0, $0x0  }
0x25: {  	p4 =	por $0x1, $0x1;
	s0 =	smov.u32 s7;
	p6 =	por $0x0, $0x0  }
.LBB2_4:
0x26: {  	p6 =	por $0x1, $0x1  }
0x27: {  	p4 =	por $0x0, $0x0;
	s0 =	smov.u32 s5;
	p5 =	por $0x0, $0x0  }
.LBB2_6:
0x28: {  	s1 =	rddreg [dreg:$0x8]  }
0x29: {  	s0 =	sadd.s32 s0, s1  }
0x2a: {  	[tilespmem:s22], [sflag:$0x1] =	stream.strided.gather [hbm4b:s0+s20], $0x18700, s21, s20, $0x38;
	[tilespmem:$0x1B700] =	vst v63  }
0x2b: {  	s31 =	simm.s32 $0x0;
	s10 =	rddreg [dreg:$0x0]  }
0x2c: {  	[tilespmem:s31], [sflag:$0x4] =	stream.linear.gather [hbm4b:s10+s31], $0x1000, $0x38;
	[tilespmem:$0x1B700] =	vst v63  }
0x2d: {  	_ =	swait.ge [sflag:s23], $0x1000  }
0x2e: {  	[sflag:s23] =	ssyncset.done $0x0  }
0x2f: {  	[sflag:s23] =	ssyncadd.s32 $0xFFFFF000  }
0x30: {  	s24 =	simm.s32 $0x1000;
	s18 =	rddreg [dreg:$0x1]  }
0x31: {  	[tilespmem:s24], [sflag:$0x4] =	stream.linear.gather [hbm4b:s18+s31], $0x1000, $0x38;
	[tilespmem:$0x1B700] =	vst v63  }
0x32: {  	_ =	swait.ge [sflag:s23], $0x1000  }
0x33: {  	[sflag:s23] =	ssyncset.done $0x0  }
0x34: {  	[sflag:s23] =	ssyncadd.s32 $0xFFFFF000  }
.LBB2_7:
0x35: {  	_ =	swait.ge [sflag:s25], $0x18700  }
0x36: {  	[sflag:s25] =	ssyncset.done $0x0  }
0x37: {  	s6 =	simm.s32 $0x1A720;
	s3 =	simm.s32 $0x0;
	[sflag:s25] =	ssyncadd.s32 $0xFFFE7900  }
.LBB2_8:
0x38: {  	s0 =	sadd.s32 s3, s11  }
0x39: {  	s1 =	sand.u32 $0x40, s3;
	s24 =	sand.u32 $0x780, s3;
	s0 =	sand.u32 $0x1780, s0  }
0x3a: {  	s24 =	sadd.s32 s24, s14;
	s18 =	sor.u32 s1, s0  }
0x3b: {  	s1 =	sadd.s32 s1, s24;
	v0 =	vld [tilespmem:s18+$0x0]  }
0x3c: {  	v1 =	vld [tilespmem:s1+$0x0];
	_ =	sdelay $0x6  }
0x3d: {  	v0 =	vld.idx.msk [tilespmem:v0+s22+$0x0], $0xffff  }
0x3e: {  	v1 =	vld.idx.msk [tilespmem:v1+s22+$0x0], $0xffff;
	_ =	sdelay $0x3  }
0x3f: {  	s18 =	sadd.s32 $0x10, s3  }
0x40: {  	s1 =	sand.u32 $0x50, s18;
	v0 =	vpack.i.f32.bf16 v1, v0  }
0x41: {  	s10 =	sor.u32 s1, s0;
	[tilespmem:s6+$0xFFFFFFE0] =	vst v0  }
0x42: {  	s1 =	sadd.s32 s1, s24;
	v0 =	vld [tilespmem:s10+$0x0]  }
0x43: {  	v61 =	vld [tilespmem:s1+$0x0];
	_ =	sdelay $0x6  }
0x44: {  	v0 =	vld.idx.msk [tilespmem:v0+s22+$0x0], $0xffff  }
0x45: {  	v1 =	vld.idx.msk [tilespmem:v61+s22+$0x0], $0xffff;
	_ =	sdelay $0x3  }
0x46: {  	s18 =	sadd.s32 $0x20, s3  }
0x47: {  	s1 =	sand.u32 $0x60, s18;
	v0 =	vpack.i.f32.bf16 v1, v0  }
0x48: {  	s10 =	sor.u32 s1, s0;
	[tilespmem:s6+$0xFFFFFFF0] =	vst v0  }
0x49: {  	s1 =	sadd.s32 s1, s24;
	v0 =	vld [tilespmem:s10+$0x0]  }
0x4a: {  	v62 =	vld [tilespmem:s1+$0x0];
	_ =	sdelay $0x6  }
0x4b: {  	v0 =	vld.idx.msk [tilespmem:v0+s22+$0x0], $0xffff  }
0x4c: {  	v1 =	vld.idx.msk [tilespmem:v62+s22+$0x0], $0xffff;
	_ =	sdelay $0x3  }
0x4d: {  	s18 =	sadd.s32 $0x30, s3  }
0x4e: {  	s1 =	sand.u32 $0x70, s18;
	v0 =	vpack.i.f32.bf16 v1, v0  }
0x4f: {  	s0 =	sor.u32 s1, s0;
	[tilespmem:s6+$0x0] =	vst v0  }
0x50: {  	s24 =	sadd.s32 s1, s24;
	v0 =	vld [tilespmem:s0+$0x0]  }
0x51: {  	v63 =	vld [tilespmem:s24+$0x0];
	_ =	sdelay $0x6  }
0x52: {  	v0 =	vld.idx.msk [tilespmem:v0+s22+$0x0], $0xffff  }
0x53: {  	v1 =	vld.idx.msk [tilespmem:v63+s22+$0x0], $0xffff  }
0x54: {  	p1 =	sne.s32 s3, $0x7C0  }
.Ltmp4:
0x55: {  	_ = 	snop;
	(pc) =	sbr.rel @p1 .LBB2_8-.Ltmp4, $3  }
0x56: {  	_ =	sdelay $0x1  }
0x57: {  	v0 =	vpack.i.f32.bf16 v1, v0  }
0x58: {  	s3 =	sadd.s32 $0x40, s3;
	[tilespmem:s6+$0x10] =	vst v0;
	s6 =	sadd.s32 $0x40, s6  }
0x59: {  	s6 =	sshll.u32 s31, $0x1  }
0x5a: {  	s0 =	sor.u32 s19, s6  }
0x5b: {  	s1 =	sshll.u32 @!p2 s0, $0x7  }
0x5c: {  	s1 =	sand.u32 @!p2 $0x380, s1  }
0x5d: {  	s1 =	sor.u32 @!p2 s12, s1  }
0x5e: {  	s3 =	simm.s32 @!p2 $0x80;
	s1 =	sshrl.u32 @!p2 s1, $0x3  }
0x5f: {  	s18 =	simm.s32 @!p2 $0x400;
	s24 =	simm.s32 @!p2 $0x2000;
	s1 =	sadd.s32 @!p2 s2, s1  }
0x60: {  	[tilespmem:s24], [sflag:$0x1] =	stream.strided.gather @!p2 [hbm4b:s1+s3], $0x18700, s18, s3, $0x38;
	[tilespmem:$0x1B700] =	vst v63  }
0x61: {  	s1 =	sshll.u32 @p5 s0, $0x7  }
0x62: {  	s1 =	sand.u32 @p5 $0x380, s1  }
0x63: {  	s1 =	sor.u32 @p5 s15, s1  }
0x64: {  	s3 =	simm.s32 @p5 $0x80;
	s1 =	sshrl.u32 @p5 s1, $0x3  }
0x65: {  	s18 =	simm.s32 @p5 $0x400;
	s24 =	simm.s32 @p5 $0x2000;
	s1 =	sadd.s32 @p5 s4, s1  }
0x66: {  	[tilespmem:s24], [sflag:$0x1] =	stream.strided.gather @p5 [hbm4b:s1+s3], $0x18700, s18, s3, $0x38;
	[tilespmem:$0x1B700] =	vst v63  }
0x67: {  	s1 =	sshll.u32 @p6 s0, $0x7  }
0x68: {  	s0 =	sshll.u32 @p4 s0, $0x7;
	s1 =	sand.u32 @p6 $0x380, s1  }
0x69: {  	s3 =	simm.s32 @p6 $0x80;
	s0 =	sand.u32 @p4 $0x380, s0;
	s1 =	sor.u32 @p6 s15, s1  }
0x6a: {  	s18 =	simm.s32 @p6 $0x400;
	s0 =	sor.u32 @p4 s15, s0;
	s1 =	sshrl.u32 @p6 s1, $0x3  }
0x6b: {  	s24 =	simm.s32 @p6 $0x2000;
	s0 =	sshrl.u32 @p4 s0, $0x3;
	s1 =	sadd.s32 @p6 s5, s1  }
0x6c: {  	[tilespmem:s24], [sflag:$0x1] =	stream.strided.gather @p6 [hbm4b:s1+s3], $0x18700, s18, s3, $0x38;
	[tilespmem:$0x1B700] =	vst v63  }
0x6d: {  	s0 =	sadd.s32 @p4 s7, s0;
	s1 =	simm.s32 @p4 $0x80  }
0x6e: {  	s3 =	simm.s32 @p4 $0x400;
	s18 =	simm.s32 @p4 $0x2000;
	s24 =	sshll.u32 s31, $0x5  }
0x6f: {  	[tilespmem:s18], [sflag:$0x1] =	stream.strided.gather @p4 [hbm4b:s0+s1], $0x18700, s3, s1, $0x38;
	[tilespmem:$0x1B700] =	vst v63  }
0x70: {  	s0 =	sadd.s32 s24, s16  }
0x71: {  	[hbm4b:s0+s20] =	stream.strided.scatter [tilespmem:s26], [sflag:$0x2], $0x800, s21, s20, $0x38;
	[tilespmem:$0x1B700] =	vst v63  }
0x72: {  	_ =	swait.ge [sflag:s25], $0x18700  }
0x73: {  	[sflag:s25] =	ssyncset.done $0x0  }
0x74: {  	s3 =	simm.s32 $0x0;
	s0 =	simm.s32 $0x1AF20;
	[sflag:s25] =	ssyncadd.s32 $0xFFFE7900  }
.LBB2_10:
0x75: {  	s1 =	sadd.s32 s3, s11  }
0x76: {  	s18 =	sand.u32 $0x40, s3;
	s24 =	sand.u32 $0x780, s3;
	s1 =	sand.u32 $0x1780, s1  }
0x77: {  	s24 =	sadd.s32 s24, s14;
	s10 =	sor.u32 s18, s1  }
0x78: {  	s18 =	sadd.s32 s18, s24;
	v0 =	vld [tilespmem:s10+$0x0]  }
0x79: {  	v1 =	vld [tilespmem:s18+$0x0];
	_ =	sdelay $0x6  }
0x7a: {  	v0 =	vld.idx.msk [tilespmem:v0+s22+$0x0], $0xffff  }
0x7b: {  	v1 =	vld.idx.msk [tilespmem:v1+s22+$0x0], $0xffff;
	_ =	sdelay $0x3  }
0x7c: {  	s18 =	sadd.s32 $0x10, s3  }
0x7d: {  	s10 =	sand.u32 $0x50, s18;
	v0 =	vpack.i.f32.bf16 v1, v0  }
0x7e: {  	s18 =	sor.u32 s10, s1;
	[tilespmem:s0+$0xFFFFFFE0] =	vst v0  }
0x7f: {  	s10 =	sadd.s32 s10, s24;
	v0 =	vld [tilespmem:s18+$0x0]  }
0x80: {  	v61 =	vld [tilespmem:s10+$0x0];
	_ =	sdelay $0x6  }
0x81: {  	v0 =	vld.idx.msk [tilespmem:v0+s22+$0x0], $0xffff  }
0x82: {  	v1 =	vld.idx.msk [tilespmem:v61+s22+$0x0], $0xffff;
	_ =	sdelay $0x3  }
0x83: {  	s18 =	sadd.s32 $0x20, s3  }
0x84: {  	s10 =	sand.u32 $0x60, s18;
	v0 =	vpack.i.f32.bf16 v1, v0  }
0x85: {  	s18 =	sor.u32 s10, s1;
	[tilespmem:s0+$0xFFFFFFF0] =	vst v0  }
0x86: {  	s10 =	sadd.s32 s10, s24;
	v0 =	vld [tilespmem:s18+$0x0]  }
0x87: {  	v62 =	vld [tilespmem:s10+$0x0];
	_ =	sdelay $0x6  }
0x88: {  	v0 =	vld.idx.msk [tilespmem:v0+s22+$0x0], $0xffff  }
0x89: {  	v1 =	vld.idx.msk [tilespmem:v62+s22+$0x0], $0xffff;
	_ =	sdelay $0x3  }
0x8a: {  	s18 =	sadd.s32 $0x30, s3  }
0x8b: {  	s10 =	sand.u32 $0x70, s18;
	v0 =	vpack.i.f32.bf16 v1, v0  }
0x8c: {  	s1 =	sor.u32 s10, s1;
	[tilespmem:s0+$0x0] =	vst v0  }
0x8d: {  	s24 =	sadd.s32 s10, s24;
	v0 =	vld [tilespmem:s1+$0x0]  }
0x8e: {  	v63 =	vld [tilespmem:s24+$0x0];
	_ =	sdelay $0x6  }
0x8f: {  	v0 =	vld.idx.msk [tilespmem:v0+s22+$0x0], $0xffff  }
0x90: {  	v1 =	vld.idx.msk [tilespmem:v63+s22+$0x0], $0xffff  }
0x91: {  	p1 =	sne.s32 s3, $0x7C0  }
.Ltmp5:
0x92: {  	_ = 	snop;
	(pc) =	sbr.rel @p1 .LBB2_10-.Ltmp5, $3  }
0x93: {  	_ =	sdelay $0x1  }
0x94: {  	v0 =	vpack.i.f32.bf16 v1, v0  }
0x95: {  	s3 =	sadd.s32 $0x40, s3;
	[tilespmem:s0+$0x10] =	vst v0;
	s0 =	sadd.s32 $0x40, s0  }
0x96: {  	s0 =	sor.u32 $0x1, s6  }
0x97: {  	p3 =	sgt.u32 s0, $0x6  }
0x98: {  	p1 =	sne.s32 @!p3 s9, $0x0;
	s1 =	sor.u32 @!p3 s13, s0  }
0x99: {  	s1 =	sadd.s32 @!p3 $0x1, s1;
	p1 =	por p1, p3  }
0x9a: {  	s3 =	sshrl.u32 @!p1 s1, $0x3  }
0x9b: {  	s6 =	sshll.u32 @!p1 s1, $0x7;
	s3 =	smul.u32 @!p1 $0xC3800, s3  }
0x9c: {  	s6 =	sand.u32 @!p1 $0x300, s6  }
0x9d: {  	s3 =	sor.u32 @!p1 s6, s3  }
0x9e: {  	s10 =	simm.s32 @!p1 $0x400;
	s3 =	sshrl.u32 @!p1 s3, $0x3  }
0x9f: {  	s18 =	simm.s32 @!p1 $0x2000;
	s6 =	simm.s32 @!p1 $0x80;
	s3 =	sadd.s32 @!p1 s2, s3  }
0xa0: {  	[tilespmem:s18], [sflag:$0x1] =	stream.strided.gather @!p1 [hbm4b:s3+s6], $0x18700, s10, s6, $0x38;
	[tilespmem:$0x1B700] =	vst v63  }
0xa1: {  	p1 =	por !p5, p3  }
0xa2: {  	s3 =	sshrl.u32 @!p1 s1, $0x3  }
0xa3: {  	s6 =	sshll.u32 @!p1 s1, $0x7;
	s3 =	smul.u32 @!p1 $0xC3800, s3  }
0xa4: {  	s6 =	sand.u32 @!p1 $0x300, s6  }
0xa5: {  	s3 =	sor.u32 @!p1 s6, s3  }
0xa6: {  	s10 =	simm.s32 @!p1 $0x400;
	s3 =	sshrl.u32 @!p1 s3, $0x3  }
0xa7: {  	s18 =	simm.s32 @!p1 $0x2000;
	s6 =	simm.s32 @!p1 $0x80;
	s3 =	sadd.s32 @!p1 s4, s3  }
0xa8: {  	[tilespmem:s18], [sflag:$0x1] =	stream.strided.gather @!p1 [hbm4b:s3+s6], $0x18700, s10, s6, $0x38;
	[tilespmem:$0x1B700] =	vst v63  }
0xa9: {  	p1 =	por !p6, p3  }
0xaa: {  	s3 =	sshrl.u32 @!p1 s1, $0x3  }
0xab: {  	s6 =	sshll.u32 @!p1 s1, $0x7;
	s3 =	smul.u32 @!p1 $0xC3800, s3  }
0xac: {  	s6 =	sand.u32 @!p1 $0x300, s6  }
0xad: {  	s3 =	sor.u32 @!p1 s6, s3  }
0xae: {  	s10 =	simm.s32 @!p1 $0x400;
	s3 =	sshrl.u32 @!p1 s3, $0x3  }
0xaf: {  	s18 =	simm.s32 @!p1 $0x2000;
	s6 =	simm.s32 @!p1 $0x80;
	s3 =	sadd.s32 @!p1 s5, s3  }
0xb0: {  	[tilespmem:s18], [sflag:$0x1] =	stream.strided.gather @!p1 [hbm4b:s3+s6], $0x18700, s10, s6, $0x38;
	[tilespmem:$0x1B700] =	vst v63  }
0xb1: {  	p1 =	por !p4, p3  }
0xb2: {  	s3 =	sshrl.u32 @!p1 s1, $0x3  }
0xb3: {  	s1 =	sshll.u32 @!p1 s1, $0x7;
	s3 =	smul.u32 @!p1 $0xC3800, s3  }
0xb4: {  	s1 =	sand.u32 @!p1 $0x300, s1  }
0xb5: {  	s1 =	sor.u32 @!p1 s1, s3  }
0xb6: {  	s0 =	sshll.u32 s0, $0x4;
	s6 =	simm.s32 @!p1 $0x400;
	s1 =	sshrl.u32 @!p1 s1, $0x3  }
0xb7: {  	s10 =	simm.s32 @!p1 $0x2000;
	s3 =	simm.s32 @!p1 $0x80;
	s1 =	sadd.s32 @!p1 s7, s1  }
0xb8: {  	[tilespmem:s10], [sflag:$0x1] =	stream.strided.gather @!p1 [hbm4b:s1+s3], $0x18700, s6, s3, $0x38;
	[tilespmem:$0x1B700] =	vst v63  }
0xb9: {  	s31 =	sadd.s32 $0x1, s31;
	s0 =	sadd.s32 s0, s16  }
0xba: {  	[hbm4b:s0+s20] =	stream.strided.scatter [tilespmem:s28], [sflag:$0x3], $0x800, s21, s20, $0x38;
	[tilespmem:$0x1B700] =	vst v63  }
0xbb: {  	p1 =	sne.s32 s31, $0x4;
	_ =	swait.ge [sflag:s29], $0x800  }
.Ltmp6:
0xbc: {  	[sflag:s29] =	ssyncset.done $0x0;
	(pc) =	sbr.rel @p1 .LBB2_7-.Ltmp6, $4  }
0xbd: {  	[sflag:s29] =	ssyncadd.s32 $0xFFFFF800  }
0xbe: {  	_ =	swait.ge [sflag:s30], $0x800  }
0xbf: {  	[sflag:s30] =	ssyncset.done $0x0  }
0xc0: {  	[sflag:s30] =	ssyncadd.s32 $0xFFFFF800  }
0xc1: {  	s8 =	sadd.s32 $0x1, s8  }
0xc2: {  	p1 =	sne.s32 s8, s17  }
.Ltmp7:
0xc3: {  	_ = 	snop;
	(pc) =	sbr.rel @p1 .LBB2_1-.Ltmp7, $1  }
0xc4: {  	_ =	sdelay $0x3  }
0xc5: {  	_ =	sfence.sel $0x180000  }
0xc6: {  	[bflag:$0x0] =	sbarrier.arrive $0xFFFF  }
0xc7: {  	_ =	strace $0x90000047  }
0xc8: {  	s0 =	stileid.u32;
	[bflag:$0x2] =	sbarrier.arrive $0xFFFF  }
0xc9: {  	p0 =	sne.s32 s0, $0x0;
	s0 =	rddreg [dreg:$0x7]  }
0xca: {  	s0 =	sadd.s32 @!p0 $0x100000, s0  }
0xcb: {  	[sflag:s0] =	ssyncadd.tile.s32 @!p0 $0x1;
	_ =	shalt  }
.Lfunc_end2:
_tile_overlayer_lowered:
.L_overlay_start_2:
0xcc: {  	(tag) =	ssettag $0x2  }
0xcd: {  	s0 =	rddreg [dreg:$0x0];
	s2 =	stileid.u32  }
0xce: {  	s1 =	rddreg [dreg:$0x1];
	p0 =	sne.s32 s2, $0x0  }
0xcf: {  	s3 =	rddreg [dreg:$0x2];
	[bflag:$0x3] =	sbarrier.arrive $0xFFFF;
	s2 =	simm.s32 @!p0 $0x1C04  }
0xd0: {  	[timem:s3], [sflag:s2] =	dma.local @!p0 [hbm:s0], s1  }
0xd1: {  	s0 =	simm.s32 @!p0 $0x4  }
0xd2: {  	_ =	swait.ge @!p0 [sflag:s0], s1  }
0xd3: {  	s1 =	ssub.s32 @!p0 $0x0, s1;
	[sflag:s0] =	ssyncset.done @!p0 $0x0  }
0xd4: {  	[sflag:s0] =	ssyncadd.s32 @!p0 s1  }
0xd5: {  	[bflag:$0x3] =	sbarrier.arrive $0xFFFF  }
0xd6: {  	_ =	shalt  }

</sc_bundles>
